<compile_context>
chip_gen: v7x
topology: tpu7x:2x2x1
jax: 0.10.2.dev20260603
libtpu: 0.0.44.dev20260713+nightly
codegen_flags: <defaults>
</compile_context>

<pallas_src>
import functools

import jax
import jax.numpy as jnp
from jax import lax
from jax.experimental import pallas as pl
from jax.experimental.pallas import tpu as pltpu
from jax.experimental.pallas import tpu_sc as plsc

J = 133
HW = 262144
NC = 2
NS = 16
L = 16
NW = NC * NS
ROWS_PER_W = HW // NW
CHUNK_ROWS = 64
CHUNKS_PER_W = ROWS_PER_W // CHUNK_ROWS
PAIRS = CHUNKS_PER_W // 2
GROUPS = CHUNK_ROWS // L
HEAD_ROWS = 144
KV = 9
JSPLIT = 67

_mesh = plsc.VectorSubcoreMesh(core_axis_name="c", subcore_axis_name="s")


@functools.partial(
    pl.kernel,
    mesh=_mesh,
    compiler_params=pltpu.CompilerParams(needs_layout_passes=False),
    out_type=jax.ShapeDtypeStruct((HW, J), jnp.float32),
    scratch_types=[
        pltpu.VMEM((2, CHUNK_ROWS, J), jnp.float32),
        pltpu.VMEM((2, CHUNK_ROWS, J), jnp.float32),
        pltpu.VMEM((HEAD_ROWS, J), jnp.float32),
        pltpu.VMEM((160,), jnp.int32),
        pltpu.VMEM((KV * L,), jnp.float32),
        pltpu.VMEM((2 * CHUNK_ROWS,), jnp.int32),
        pltpu.SemaphoreType.DMA,
        pltpu.SemaphoreType.DMA,
        pltpu.SemaphoreType.DMA,
        pltpu.SemaphoreType.DMA,
        pltpu.SemaphoreType.DMA,
    ],
)
def _sc_onehot(x_hbm, out_hbm, in_buf, out_buf, head_buf, sel_ref, avail_ref,
               pos_ref, sem_in0, sem_in1, sem_out0, sem_out1, sem_head):
    lanes = lax.iota(jnp.int32, L)
    wid = lax.axis_index("s") * NC + lax.axis_index("c")
    row0_w = wid * ROWS_PER_W

    zeros_f = jnp.zeros((L,), jnp.float32)
    ones_f = jnp.ones((L,), jnp.float32)
    neg_inf = jnp.full((L,), -jnp.inf, jnp.float32)
    lane0 = lanes == 0
    colmask = [(k * 16 + lanes) < J for k in range(KV)]
    colvec = [k * 16 + lanes for k in range(KV)]

    def in_copy(c_idx, b):
        sem = sem_in0 if b == 0 else sem_in1
        return pltpu.make_async_copy(
            x_hbm.at[pl.ds(row0_w + c_idx * CHUNK_ROWS, CHUNK_ROWS), :],
            in_buf.at[b], sem)

    def out_copy(c_idx, b):
        sem = sem_out0 if b == 0 else sem_out1
        return pltpu.make_async_copy(
            out_buf.at[b],
            out_hbm.at[pl.ds(row0_w + c_idx * CHUNK_ROWS, CHUNK_ROWS), :], sem)

    in_copy(0, 0).start()
    in_copy(1, 1).start()

    tailc = 128 + lanes
    tailmask = lanes < (J - 128)
    for b in range(2):
        def _zrow(r, carry, b=b):
            for k in range(8):
                out_buf[b, r, pl.ds(k * 16, 16)] = zeros_f
            plsc.store_scatter(
                out_buf.at[b], [jnp.full((L,), 0, jnp.int32) + r, tailc],
                zeros_f, mask=tailmask)
            return carry
        lax.fori_loop(0, CHUNK_ROWS, _zrow, 0)
    for g in range(2 * GROUPS):
        pos_ref[pl.ds(g * 16, 16)] = jnp.zeros((L,), jnp.int32)

    @pl.when(wid == 0)
    def _greedy():
        hd = pltpu.make_async_copy(
            x_hbm.at[pl.ds(0, HEAD_ROWS), :], head_buf, sem_head)
        hd.start()
        hd.wait()
        for k in range(KV):
            avail_ref[pl.ds(k * 16, 16)] = ones_f

        def gbody(i, carry):
            ivec = jnp.full((L,), 0, jnp.int32) + i
            bestv = neg_inf
            besti = jnp.zeros((L,), jnp.int32)
            vs = []
            for k in range(KV):
                v = plsc.load_gather(head_buf, [ivec, colvec[k]],
                                     mask=colmask[k])
                vs.append(v)
                av = avail_ref[pl.ds(k * 16, 16)]
                m = jnp.where((av > 0.0) & colmask[k], v, neg_inf)
                take = m > bestv
                bestv = jnp.where(take, m, bestv)
                besti = jnp.where(take, colvec[k], besti)
            mx = bestv[0]
            c = besti[0]
            for l in range(1, L):
                v_l = bestv[l]
                i_l = besti[l]
                better = (v_l > mx) | ((v_l == mx) & (i_l < c))
                mx = jnp.where(better, v_l, mx)
                c = jnp.where(better, i_l, c)
            vc = plsc.load_gather(head_buf,
                                  [ivec, jnp.full((L,), 0, jnp.int32) + c])
            rank_v = jnp.zeros((L,), jnp.int32)
            for k in range(KV):
                gtm = (vs[k] > vc) & colmask[k]
                eqm = (vs[k] == vc) & (colvec[k] < c) & colmask[k]
                rank_v = rank_v + gtm.astype(jnp.int32) + eqm.astype(jnp.int32)
            rank = rank_v[0]
            for l in range(1, L):
                rank = rank + rank_v[l]
            found = rank <= i
            selv = jnp.where(found, c, 0)
            plsc.store_scatter(sel_ref, [ivec],
                               jnp.full((L,), selv, jnp.int32), mask=lane0)
            plsc.store_scatter(avail_ref, [jnp.full((L,), 0, jnp.int32) + c],
                               zeros_f, mask=lane0 & found)
            return carry
        lax.fori_loop(0, J, gbody, 0)

    def pbody(p, carry):
        for b in range(2):
            c_idx = 2 * p + b
            in_copy(c_idx, b).wait()

            @pl.when(p >= 1)
            def _drain_out():
                out_copy(c_idx - 2, b).wait()

            for g in range(GROUPS):
                rowv = g * 16 + lanes
                pc = pos_ref[pl.ds(b * CHUNK_ROWS + g * 16, 16)]
                plsc.store_scatter(out_buf.at[b], [rowv, pc], zeros_f)

            def gloop(g, carry2, b=b, c_idx=c_idx):
                rowv = g * 16 + lanes
                maxi = jnp.zeros((L,), jnp.int32)
                grow0 = row0_w + c_idx * CHUNK_ROWS + g * 16
                soff = jnp.minimum(grow0, 144)
                selv = sel_ref[pl.ds(soff, 16)]
                col = jnp.where(grow0 + lanes < J, selv, maxi)
                plsc.store_scatter(out_buf.at[b], [rowv, col], ones_f)
                pos_ref[pl.ds(b * CHUNK_ROWS + g * 16, 16)] = col
                return carry2
            lax.fori_loop(0, GROUPS, gloop, 0)

            out_copy(c_idx, b).start()

            @pl.when(p <= PAIRS - 2)
            def _prefetch():
                in_copy(c_idx + 2, b).start()
        return carry
    lax.fori_loop(0, PAIRS, pbody, 0)

    out_copy(CHUNKS_PER_W - 2, 0).wait()
    out_copy(CHUNKS_PER_W - 1, 1).wait()


def kernel(sgt_trans_mat, use_gumbel_noise, is_training):
    del use_gumbel_noise, is_training
    return _sc_onehot(sgt_trans_mat)

# --- scband reference (transcript-rebuilt; emitter-appended) ---
"""Pipeline reference for scband-auto-enc-index-33887291965861 (READ-ONLY COPY).

The authoritative reference and input builder live on the scoring server;
editing this copy changes nothing except your own understanding.
"""

import jax, jax.numpy as jnp
import numpy as np

NUM_JTS = 133
GRID_SHAPE = (64, 64, 64)
HW = int(np.prod(GRID_SHAPE))


def setup_inputs(seed: int = 0) -> dict:
    key = jax.random.key(seed)
    sgt_trans_mat = jax.random.uniform(key, (HW, NUM_JTS), dtype=jnp.float32)
    return {"sgt_trans_mat": sgt_trans_mat, "use_gumbel_noise": 0, "is_training": 1}


def _greedy_index_sel(index, hw, j):
    # Replicates the torch python loop: for rows < J, greedily pick the
    # highest-ranked not-yet-taken joint; for rows >= J, take argmax.
    n = min(hw, j)
    col_ids = jnp.arange(j)

    def _row(indicator, row_idx):
        row = index[row_idx]
        valid = col_ids <= row_idx
        avail = (indicator[row] == 1) & valid
        found = jnp.any(avail)
        c = row[jnp.argmax(avail)]
        sel_r = jnp.where(found, c, 0)
        indicator = jnp.where(found, indicator.at[c].set(0), indicator)
        return indicator, sel_r

    _, head = jax.lax.scan(_row, jnp.ones(j, dtype=jnp.int32), jnp.arange(n))
    return jnp.concatenate([head, index[n:, 0]])


def reference(sgt_trans_mat, use_gumbel_noise, is_training):
    hw, j = sgt_trans_mat.shape
    # topk over the full last dim (k == J) == descending argsort, as in torch
    _, index = jax.lax.top_k(sgt_trans_mat, j)
    index_sel = _greedy_index_sel(index, hw, j)
    # scatter 1.0 at selected column per row (torch scatter_)
    y_hard = jnp.zeros_like(sgt_trans_mat).at[jnp.arange(hw), index_sel].set(1.0)
    # straight-through: y_hard - sgt.detach() + sgt
    hard_training = y_hard - jax.lax.stop_gradient(sgt_trans_mat) + sgt_trans_mat
    hard_eval = jax.nn.one_hot(index_sel, j, dtype=jnp.float32)
    sgt_trans_mat_hard = jnp.where(is_training != 0, hard_training, hard_eval)
    return sgt_trans_mat_hard


if False:  # reference __main__ guard neutralized (emitter)
    out = reference(**setup_inputs())
    print(out.shape, out.dtype)

if __name__ == "__main__":
    import jax
    _d = setup_inputs()
    print(jax.jit(kernel)(*tuple(_d.values())))

</pallas_src>

<mosaic_0001>
#map = affine_map<(d0, d1) -> (0, 0)>
module attributes {stable_mosaic.version = 14 : i64} {
  func.func @_sc_onehot(%arg0: i32, %arg1: i32, %arg2: memref<262144x133xf32, #tpu.memory_space<hbm>>, %arg3: memref<262144x133xf32, #tpu.memory_space<hbm>>, %arg4: memref<2x64x133xf32, #tpu.memory_space<vmem>>, %arg5: memref<2x64x133xf32, #tpu.memory_space<vmem>>, %arg6: memref<144x133xf32, #tpu.memory_space<vmem>>, %arg7: memref<160xi32, #tpu.memory_space<vmem>>, %arg8: memref<144xf32, #tpu.memory_space<vmem>>, %arg9: memref<128xi32, #tpu.memory_space<vmem>>, %arg10: memref<!tpu.dma_semaphore, #tpu.memory_space<semaphore_mem>>, %arg11: memref<!tpu.dma_semaphore, #tpu.memory_space<semaphore_mem>>, %arg12: memref<!tpu.dma_semaphore, #tpu.memory_space<semaphore_mem>>, %arg13: memref<!tpu.dma_semaphore, #tpu.memory_space<semaphore_mem>>, %arg14: memref<!tpu.dma_semaphore, #tpu.memory_space<semaphore_mem>>) attributes {dimension_semantics = [#tpu.dimension_semantics<core_parallel>, #tpu.dimension_semantics<subcore_parallel>], iteration_bounds = array<i64: 2, 16>, scalar_prefetch = 0 : i64, scratch_operands = 11 : i64, tpu.core_type = #tpu.core_type<sc_vector_subcore>, window_params = [{transform_indices = #map}, {transform_indices = #map}]} {
    %iota3A = tpu.iota {dimensions = array<i32: 0>} : vector<16xi32>
    %mul3A = arith.constant 2 : i32
    %mul3A_0 = arith.muli %arg1, %mul3A : i32
    %add3A = arith.addi %mul3A_0, %arg0 : i32
    %mul3A_1 = arith.constant 8192 : i32
    %mul3A_2 = arith.muli %add3A, %mul3A_1 : i32
    %broadcast_in_dim3A = arith.constant 0.000000e+00 : f32
    %broadcast_in_dim3A_3 = vector.broadcast %broadcast_in_dim3A : f32 to vector<16xf32>
    %broadcast_in_dim3A_4 = arith.constant 1.000000e+00 : f32
    %broadcast_in_dim3A_5 = vector.broadcast %broadcast_in_dim3A_4 : f32 to vector<16xf32>
    %broadcast_in_dim3A_6 = arith.constant 0xFF800000 : f32
    %broadcast_in_dim3A_7 = vector.broadcast %broadcast_in_dim3A_6 : f32 to vector<16xf32>
    %eq3A = arith.constant 0 : i32
    %eq3A_8 = vector.broadcast %eq3A : i32 to vector<16xi32>
    %eq3A_9 = arith.cmpi eq, %iota3A, %eq3A_8 : vector<16xi32>
    %add3A_10 = arith.constant 0 : i32
    %add3A_11 = vector.broadcast %add3A_10 : i32 to vector<16xi32>
    %add3A_12 = arith.addi %add3A_11, %iota3A : vector<16xi32>
    %lt3A = arith.constant 133 : i32
    %lt3A_13 = vector.broadcast %lt3A : i32 to vector<16xi32>
    %lt3A_14 = arith.cmpi slt, %add3A_12, %lt3A_13 : vector<16xi32>
    %add3A_15 = arith.constant 16 : i32
    %add3A_16 = vector.broadcast %add3A_15 : i32 to vector<16xi32>
    %add3A_17 = arith.addi %add3A_16, %iota3A : vector<16xi32>
    %lt3A_18 = arith.constant 133 : i32
    %lt3A_19 = vector.broadcast %lt3A_18 : i32 to vector<16xi32>
    %lt3A_20 = arith.cmpi slt, %add3A_17, %lt3A_19 : vector<16xi32>
    %add3A_21 = arith.constant 32 : i32
    %add3A_22 = vector.broadcast %add3A_21 : i32 to vector<16xi32>
    %add3A_23 = arith.addi %add3A_22, %iota3A : vector<16xi32>
    %lt3A_24 = arith.constant 133 : i32
    %lt3A_25 = vector.broadcast %lt3A_24 : i32 to vector<16xi32>
    %lt3A_26 = arith.cmpi slt, %add3A_23, %lt3A_25 : vector<16xi32>
    %add3A_27 = arith.constant 48 : i32
    %add3A_28 = vector.broadcast %add3A_27 : i32 to vector<16xi32>
    %add3A_29 = arith.addi %add3A_28, %iota3A : vector<16xi32>
    %lt3A_30 = arith.constant 133 : i32
    %lt3A_31 = vector.broadcast %lt3A_30 : i32 to vector<16xi32>
    %lt3A_32 = arith.cmpi slt, %add3A_29, %lt3A_31 : vector<16xi32>
    %add3A_33 = arith.constant 64 : i32
    %add3A_34 = vector.broadcast %add3A_33 : i32 to vector<16xi32>
    %add3A_35 = arith.addi %add3A_34, %iota3A : vector<16xi32>
    %lt3A_36 = arith.constant 133 : i32
    %lt3A_37 = vector.broadcast %lt3A_36 : i32 to vector<16xi32>
    %lt3A_38 = arith.cmpi slt, %add3A_35, %lt3A_37 : vector<16xi32>
    %add3A_39 = arith.constant 80 : i32
    %add3A_40 = vector.broadcast %add3A_39 : i32 to vector<16xi32>
    %add3A_41 = arith.addi %add3A_40, %iota3A : vector<16xi32>
    %lt3A_42 = arith.constant 133 : i32
    %lt3A_43 = vector.broadcast %lt3A_42 : i32 to vector<16xi32>
    %lt3A_44 = arith.cmpi slt, %add3A_41, %lt3A_43 : vector<16xi32>
    %add3A_45 = arith.constant 96 : i32
    %add3A_46 = vector.broadcast %add3A_45 : i32 to vector<16xi32>
    %add3A_47 = arith.addi %add3A_46, %iota3A : vector<16xi32>
    %lt3A_48 = arith.constant 133 : i32
    %lt3A_49 = vector.broadcast %lt3A_48 : i32 to vector<16xi32>
    %lt3A_50 = arith.cmpi slt, %add3A_47, %lt3A_49 : vector<16xi32>
    %add3A_51 = arith.constant 112 : i32
    %add3A_52 = vector.broadcast %add3A_51 : i32 to vector<16xi32>
    %add3A_53 = arith.addi %add3A_52, %iota3A : vector<16xi32>
    %lt3A_54 = arith.constant 133 : i32
    %lt3A_55 = vector.broadcast %lt3A_54 : i32 to vector<16xi32>
    %lt3A_56 = arith.cmpi slt, %add3A_53, %lt3A_55 : vector<16xi32>
    %add3A_57 = arith.constant 128 : i32
    %add3A_58 = vector.broadcast %add3A_57 : i32 to vector<16xi32>
    %add3A_59 = arith.addi %add3A_58, %iota3A : vector<16xi32>
    %lt3A_60 = arith.constant 133 : i32
    %lt3A_61 = vector.broadcast %lt3A_60 : i32 to vector<16xi32>
    %lt3A_62 = arith.cmpi slt, %add3A_59, %lt3A_61 : vector<16xi32>
    %add3A_63 = arith.constant 0 : i32
    %add3A_64 = vector.broadcast %add3A_63 : i32 to vector<16xi32>
    %add3A_65 = arith.addi %add3A_64, %iota3A : vector<16xi32>
    %add3A_66 = arith.constant 16 : i32
    %add3A_67 = vector.broadcast %add3A_66 : i32 to vector<16xi32>
    %add3A_68 = arith.addi %add3A_67, %iota3A : vector<16xi32>
    %add3A_69 = arith.constant 32 : i32
    %add3A_70 = vector.broadcast %add3A_69 : i32 to vector<16xi32>
    %add3A_71 = arith.addi %add3A_70, %iota3A : vector<16xi32>
    %add3A_72 = arith.constant 48 : i32
    %add3A_73 = vector.broadcast %add3A_72 : i32 to vector<16xi32>
    %add3A_74 = arith.addi %add3A_73, %iota3A : vector<16xi32>
    %add3A_75 = arith.constant 64 : i32
    %add3A_76 = vector.broadcast %add3A_75 : i32 to vector<16xi32>
    %add3A_77 = arith.addi %add3A_76, %iota3A : vector<16xi32>
    %add3A_78 = arith.constant 80 : i32
    %add3A_79 = vector.broadcast %add3A_78 : i32 to vector<16xi32>
    %add3A_80 = arith.addi %add3A_79, %iota3A : vector<16xi32>
    %add3A_81 = arith.constant 96 : i32
    %add3A_82 = vector.broadcast %add3A_81 : i32 to vector<16xi32>
    %add3A_83 = arith.addi %add3A_82, %iota3A : vector<16xi32>
    %add3A_84 = arith.constant 112 : i32
    %add3A_85 = vector.broadcast %add3A_84 : i32 to vector<16xi32>
    %add3A_86 = arith.addi %add3A_85, %iota3A : vector<16xi32>
    %add3A_87 = arith.constant 128 : i32
    %add3A_88 = vector.broadcast %add3A_87 : i32 to vector<16xi32>
    %add3A_89 = arith.addi %add3A_88, %iota3A : vector<16xi32>
    %add3A_90 = arith.constant 0 : i32
    %add3A_91 = arith.addi %mul3A_2, %add3A_90 : i32
    %dma_start3A = arith.constant 0 : i32
    %dma_start3A_92 = arith.constant 0 : i32
    %dma_start3A_93 = arith.constant 0 : i32
    %dma_start3A_94 = tpu.memref_slice %arg4[%dma_start3A, %dma_start3A_92, %dma_start3A_93] : memref<2x64x133xf32, #tpu.memory_space<vmem>> -> memref<1x64x133xf32, #tpu.memory_space<vmem>>
    %dma_start3A_95 = tpu.memref_squeeze %dma_start3A_94 : memref<1x64x133xf32, #tpu.memory_space<vmem>> -> memref<64x133xf32, #tpu.memory_space<vmem>>
    %dma_start3A_96 = arith.constant 0 : i32
    %dma_start3A_97 = tpu.memref_slice %arg2[%add3A_91, %dma_start3A_96] : memref<262144x133xf32, #tpu.memory_space<hbm>> -> memref<64x133xf32, #tpu.memory_space<hbm>>
    %dma_start3A_98 = arith.constant 0 : i32
    %dma_start3A_99 = arith.constant 0 : i32
    %dma_start3A_100 = tpu.memref_slice %arg4[%dma_start3A, %dma_start3A_98, %dma_start3A_99] : memref<2x64x133xf32, #tpu.memory_space<vmem>> -> memref<1x64x133xf32, #tpu.memory_space<vmem>>
    %dma_start3A_101 = tpu.memref_squeeze %dma_start3A_100 : memref<1x64x133xf32, #tpu.memory_space<vmem>> -> memref<64x133xf32, #tpu.memory_space<vmem>>
    %dma_start3A_102 = arith.constant 0 : i32
    %dma_start3A_103 = tpu.memref_slice %arg2[%add3A_91, %dma_start3A_102] : memref<262144x133xf32, #tpu.memory_space<hbm>> -> memref<64x133xf32, #tpu.memory_space<hbm>>
    tpu.enqueue_dma source(%dma_start3A_103 : memref<64x133xf32, #tpu.memory_space<hbm>>) target(%dma_start3A_101 : memref<64x133xf32, #tpu.memory_space<vmem>>) target_semaphore(%arg10 : memref<!tpu.dma_semaphore, #tpu.memory_space<semaphore_mem>>)
    %add3A_104 = arith.constant 64 : i32
    %add3A_105 = arith.addi %mul3A_2, %add3A_104 : i32
    %dma_start3A_106 = arith.constant 1 : i32
    %dma_start3A_107 = arith.constant 0 : i32
    %dma_start3A_108 = arith.constant 0 : i32
    %dma_start3A_109 = tpu.memref_slice %arg4[%dma_start3A_106, %dma_start3A_107, %dma_start3A_108] : memref<2x64x133xf32, #tpu.memory_space<vmem>> -> memref<1x64x133xf32, #tpu.memory_space<vmem>>
    %dma_start3A_110 = tpu.memref_squeeze %dma_start3A_109 : memref<1x64x133xf32, #tpu.memory_space<vmem>> -> memref<64x133xf32, #tpu.memory_space<vmem>>
    %dma_start3A_111 = arith.constant 0 : i32
    %dma_start3A_112 = tpu.memref_slice %arg2[%add3A_105, %dma_start3A_111] : memref<262144x133xf32, #tpu.memory_space<hbm>> -> memref<64x133xf32, #tpu.memory_space<hbm>>
    %dma_start3A_113 = arith.constant 0 : i32
    %dma_start3A_114 = arith.constant 0 : i32
    %dma_start3A_115 = tpu.memref_slice %arg4[%dma_start3A_106, %dma_start3A_113, %dma_start3A_114] : memref<2x64x133xf32, #tpu.memory_space<vmem>> -> memref<1x64x133xf32, #tpu.memory_space<vmem>>
    %dma_start3A_116 = tpu.memref_squeeze %dma_start3A_115 : memref<1x64x133xf32, #tpu.memory_space<vmem>> -> memref<64x133xf32, #tpu.memory_space<vmem>>
    %dma_start3A_117 = arith.constant 0 : i32
    %dma_start3A_118 = tpu.memref_slice %arg2[%add3A_105, %dma_start3A_117] : memref<262144x133xf32, #tpu.memory_space<hbm>> -> memref<64x133xf32, #tpu.memory_space<hbm>>
    tpu.enqueue_dma source(%dma_start3A_118 : memref<64x133xf32, #tpu.memory_space<hbm>>) target(%dma_start3A_116 : memref<64x133xf32, #tpu.memory_space<vmem>>) target_semaphore(%arg11 : memref<!tpu.dma_semaphore, #tpu.memory_space<semaphore_mem>>)
    %add3A_119 = arith.constant 128 : i32
    %add3A_120 = vector.broadcast %add3A_119 : i32 to vector<16xi32>
    %add3A_121 = arith.addi %add3A_120, %iota3A : vector<16xi32>
    %lt3A_122 = arith.constant 5 : i32
    %lt3A_123 = vector.broadcast %lt3A_122 : i32 to vector<16xi32>
    %lt3A_124 = arith.cmpi slt, %iota3A, %lt3A_123 : vector<16xi32>
    %scan3A = arith.constant 0 : i32
    %scan3A_125 = arith.constant 0 : i32
    %scan3A_126 = arith.constant 64 : i32
    %scan3A_127 = arith.addi %scan3A_125, %scan3A_126 : i32
    %scan3A_128 = arith.constant 1 : i32
    scf.for %scan3A_205 = %scan3A_125 to %scan3A_127 step %scan3A_128  : i32 {
      %swap3A_206 = arith.constant 0 : i32
      %swap3A_207 = arith.index_cast %swap3A_206 : i32 to index
      %swap3A_208 = arith.index_cast %scan3A_205 : i32 to index
      %swap3A_209 = arith.constant 0 : index
      %swap3A_210 = tpu.vector_load %arg5[%swap3A_207, %swap3A_208, %swap3A_209] {strides = array<i32>} : memref<2x64x133xf32, #tpu.memory_space<vmem>>, vector<16xf32>,
      tpu.vector_store %arg5[%swap3A_207, %swap3A_208, %swap3A_209], %broadcast_in_dim3A_3 {strides = array<i32>} : memref<2x64x133xf32, #tpu.memory_space<vmem>>, vector<16xf32>,
      %swap3A_211 = arith.constant 0 : i32
      %swap3A_212 = arith.index_cast %swap3A_211 : i32 to index
      %swap3A_213 = arith.index_cast %scan3A_205 : i32 to index
      %swap3A_214 = arith.constant 16 : index
      %swap3A_215 = tpu.vector_load %arg5[%swap3A_212, %swap3A_213, %swap3A_214] {strides = array<i32>} : memref<2x64x133xf32, #tpu.memory_space<vmem>>, vector<16xf32>,
      tpu.vector_store %arg5[%swap3A_212, %swap3A_213, %swap3A_214], %broadcast_in_dim3A_3 {strides = array<i32>} : memref<2x64x133xf32, #tpu.memory_space<vmem>>, vector<16xf32>,
      %swap3A_216 = arith.constant 0 : i32
      %swap3A_217 = arith.index_cast %swap3A_216 : i32 to index
      %swap3A_218 = arith.index_cast %scan3A_205 : i32 to index
      %swap3A_219 = arith.constant 32 : index
      %swap3A_220 = tpu.vector_load %arg5[%swap3A_217, %swap3A_218, %swap3A_219] {strides = array<i32>} : memref<2x64x133xf32, #tpu.memory_space<vmem>>, vector<16xf32>,
      tpu.vector_store %arg5[%swap3A_217, %swap3A_218, %swap3A_219], %broadcast_in_dim3A_3 {strides = array<i32>} : memref<2x64x133xf32, #tpu.memory_space<vmem>>, vector<16xf32>,
      %swap3A_221 = arith.constant 0 : i32
      %swap3A_222 = arith.index_cast %swap3A_221 : i32 to index
      %swap3A_223 = arith.index_cast %scan3A_205 : i32 to index
      %swap3A_224 = arith.constant 48 : index
      %swap3A_225 = tpu.vector_load %arg5[%swap3A_222, %swap3A_223, %swap3A_224] {strides = array<i32>} : memref<2x64x133xf32, #tpu.memory_space<vmem>>, vector<16xf32>,
      tpu.vector_store %arg5[%swap3A_222, %swap3A_223, %swap3A_224], %broadcast_in_dim3A_3 {strides = array<i32>} : memref<2x64x133xf32, #tpu.memory_space<vmem>>, vector<16xf32>,
      %swap3A_226 = arith.constant 0 : i32
      %swap3A_227 = arith.index_cast %swap3A_226 : i32 to index
      %swap3A_228 = arith.index_cast %scan3A_205 : i32 to index
      %swap3A_229 = arith.constant 64 : index
      %swap3A_230 = tpu.vector_load %arg5[%swap3A_227, %swap3A_228, %swap3A_229] {strides = array<i32>} : memref<2x64x133xf32, #tpu.memory_space<vmem>>, vector<16xf32>,
      tpu.vector_store %arg5[%swap3A_227, %swap3A_228, %swap3A_229], %broadcast_in_dim3A_3 {strides = array<i32>} : memref<2x64x133xf32, #tpu.memory_space<vmem>>, vector<16xf32>,
      %swap3A_231 = arith.constant 0 : i32
      %swap3A_232 = arith.index_cast %swap3A_231 : i32 to index
      %swap3A_233 = arith.index_cast %scan3A_205 : i32 to index
      %swap3A_234 = arith.constant 80 : index
      %swap3A_235 = tpu.vector_load %arg5[%swap3A_232, %swap3A_233, %swap3A_234] {strides = array<i32>} : memref<2x64x133xf32, #tpu.memory_space<vmem>>, vector<16xf32>,
      tpu.vector_store %arg5[%swap3A_232, %swap3A_233, %swap3A_234], %broadcast_in_dim3A_3 {strides = array<i32>} : memref<2x64x133xf32, #tpu.memory_space<vmem>>, vector<16xf32>,
      %swap3A_236 = arith.constant 0 : i32
      %swap3A_237 = arith.index_cast %swap3A_236 : i32 to index
      %swap3A_238 = arith.index_cast %scan3A_205 : i32 to index
      %swap3A_239 = arith.constant 96 : index
      %swap3A_240 = tpu.vector_load %arg5[%swap3A_237, %swap3A_238, %swap3A_239] {strides = array<i32>} : memref<2x64x133xf32, #tpu.memory_space<vmem>>, vector<16xf32>,
      tpu.vector_store %arg5[%swap3A_237, %swap3A_238, %swap3A_239], %broadcast_in_dim3A_3 {strides = array<i32>} : memref<2x64x133xf32, #tpu.memory_space<vmem>>, vector<16xf32>,
      %swap3A_241 = arith.constant 0 : i32
      %swap3A_242 = arith.index_cast %swap3A_241 : i32 to index
      %swap3A_243 = arith.index_cast %scan3A_205 : i32 to index
      %swap3A_244 = arith.constant 112 : index
      %swap3A_245 = tpu.vector_load %arg5[%swap3A_242, %swap3A_243, %swap3A_244] {strides = array<i32>} : memref<2x64x133xf32, #tpu.memory_space<vmem>>, vector<16xf32>,
      tpu.vector_store %arg5[%swap3A_242, %swap3A_243, %swap3A_244], %broadcast_in_dim3A_3 {strides = array<i32>} : memref<2x64x133xf32, #tpu.memory_space<vmem>>, vector<16xf32>,
      %broadcast_in_dim3A_246 = arith.constant 0 : i32
      %broadcast_in_dim3A_247 = vector.broadcast %broadcast_in_dim3A_246 : i32 to vector<16xi32>
      %add3A_248 = vector.broadcast %scan3A_205 : i32 to vector<16xi32>
      %add3A_249 = arith.addi %broadcast_in_dim3A_247, %add3A_248 : vector<16xi32>
      %scatter3A = arith.constant 0 : i32
      %scatter3A_250 = arith.constant 0 : i32
      %scatter3A_251 = arith.constant 0 : i32
      %scatter3A_252 = tpu.memref_slice %arg5[%scatter3A, %scatter3A_250, %scatter3A_251] : memref<2x64x133xf32, #tpu.memory_space<vmem>> -> memref<1x64x133xf32, #tpu.memory_space<vmem>>
      %scatter3A_253 = tpu.memref_squeeze %scatter3A_252 : memref<1x64x133xf32, #tpu.memory_space<vmem>> -> memref<64x133xf32, #tpu.memory_space<vmem>>
      tpu.vector_store_idx %scatter3A_253[%add3A_249, %add3A_121], %broadcast_in_dim3A_3 masked %lt3A_124 : memref<64x133xf32, #tpu.memory_space<vmem>>[vector<16xi32>, vector<16xi32>], vector<16xf32>, vector<16xi1>
    }
    %scan3A_129 = arith.constant 64 : i32
    %scan3A_130 = arith.constant 0 : i32
    %scan3A_131 = arith.constant 0 : i32
    %scan3A_132 = arith.constant 64 : i32
    %scan3A_133 = arith.addi %scan3A_131, %scan3A_132 : i32
    %scan3A_134 = arith.constant 1 : i32
    scf.for %scan3A_205 = %scan3A_131 to %scan3A_133 step %scan3A_134  : i32 {
      %swap3A_206 = arith.constant 1 : i32
      %swap3A_207 = arith.index_cast %swap3A_206 : i32 to index
      %swap3A_208 = arith.index_cast %scan3A_205 : i32 to index
      %swap3A_209 = arith.constant 0 : index
      %swap3A_210 = tpu.vector_load %arg5[%swap3A_207, %swap3A_208, %swap3A_209] {strides = array<i32>} : memref<2x64x133xf32, #tpu.memory_space<vmem>>, vector<16xf32>,
      tpu.vector_store %arg5[%swap3A_207, %swap3A_208, %swap3A_209], %broadcast_in_dim3A_3 {strides = array<i32>} : memref<2x64x133xf32, #tpu.memory_space<vmem>>, vector<16xf32>,
      %swap3A_211 = arith.constant 1 : i32
      %swap3A_212 = arith.index_cast %swap3A_211 : i32 to index
      %swap3A_213 = arith.index_cast %scan3A_205 : i32 to index
      %swap3A_214 = arith.constant 16 : index
      %swap3A_215 = tpu.vector_load %arg5[%swap3A_212, %swap3A_213, %swap3A_214] {strides = array<i32>} : memref<2x64x133xf32, #tpu.memory_space<vmem>>, vector<16xf32>,
      tpu.vector_store %arg5[%swap3A_212, %swap3A_213, %swap3A_214], %broadcast_in_dim3A_3 {strides = array<i32>} : memref<2x64x133xf32, #tpu.memory_space<vmem>>, vector<16xf32>,
      %swap3A_216 = arith.constant 1 : i32
      %swap3A_217 = arith.index_cast %swap3A_216 : i32 to index
      %swap3A_218 = arith.index_cast %scan3A_205 : i32 to index
      %swap3A_219 = arith.constant 32 : index
      %swap3A_220 = tpu.vector_load %arg5[%swap3A_217, %swap3A_218, %swap3A_219] {strides = array<i32>} : memref<2x64x133xf32, #tpu.memory_space<vmem>>, vector<16xf32>,
      tpu.vector_store %arg5[%swap3A_217, %swap3A_218, %swap3A_219], %broadcast_in_dim3A_3 {strides = array<i32>} : memref<2x64x133xf32, #tpu.memory_space<vmem>>, vector<16xf32>,
      %swap3A_221 = arith.constant 1 : i32
      %swap3A_222 = arith.index_cast %swap3A_221 : i32 to index
      %swap3A_223 = arith.index_cast %scan3A_205 : i32 to index
      %swap3A_224 = arith.constant 48 : index
      %swap3A_225 = tpu.vector_load %arg5[%swap3A_222, %swap3A_223, %swap3A_224] {strides = array<i32>} : memref<2x64x133xf32, #tpu.memory_space<vmem>>, vector<16xf32>,
      tpu.vector_store %arg5[%swap3A_222, %swap3A_223, %swap3A_224], %broadcast_in_dim3A_3 {strides = array<i32>} : memref<2x64x133xf32, #tpu.memory_space<vmem>>, vector<16xf32>,
      %swap3A_226 = arith.constant 1 : i32
      %swap3A_227 = arith.index_cast %swap3A_226 : i32 to index
      %swap3A_228 = arith.index_cast %scan3A_205 : i32 to index
      %swap3A_229 = arith.constant 64 : index
      %swap3A_230 = tpu.vector_load %arg5[%swap3A_227, %swap3A_228, %swap3A_229] {strides = array<i32>} : memref<2x64x133xf32, #tpu.memory_space<vmem>>, vector<16xf32>,
      tpu.vector_store %arg5[%swap3A_227, %swap3A_228, %swap3A_229], %broadcast_in_dim3A_3 {strides = array<i32>} : memref<2x64x133xf32, #tpu.memory_space<vmem>>, vector<16xf32>,
      %swap3A_231 = arith.constant 1 : i32
      %swap3A_232 = arith.index_cast %swap3A_231 : i32 to index
      %swap3A_233 = arith.index_cast %scan3A_205 : i32 to index
      %swap3A_234 = arith.constant 80 : index
      %swap3A_235 = tpu.vector_load %arg5[%swap3A_232, %swap3A_233, %swap3A_234] {strides = array<i32>} : memref<2x64x133xf32, #tpu.memory_space<vmem>>, vector<16xf32>,
      tpu.vector_store %arg5[%swap3A_232, %swap3A_233, %swap3A_234], %broadcast_in_dim3A_3 {strides = array<i32>} : memref<2x64x133xf32, #tpu.memory_space<vmem>>, vector<16xf32>,
      %swap3A_236 = arith.constant 1 : i32
      %swap3A_237 = arith.index_cast %swap3A_236 : i32 to index
      %swap3A_238 = arith.index_cast %scan3A_205 : i32 to index
      %swap3A_239 = arith.constant 96 : index
      %swap3A_240 = tpu.vector_load %arg5[%swap3A_237, %swap3A_238, %swap3A_239] {strides = array<i32>} : memref<2x64x133xf32, #tpu.memory_space<vmem>>, vector<16xf32>,
      tpu.vector_store %arg5[%swap3A_237, %swap3A_238, %swap3A_239], %broadcast_in_dim3A_3 {strides = array<i32>} : memref<2x64x133xf32, #tpu.memory_space<vmem>>, vector<16xf32>,
      %swap3A_241 = arith.constant 1 : i32
      %swap3A_242 = arith.index_cast %swap3A_241 : i32 to index
      %swap3A_243 = arith.index_cast %scan3A_205 : i32 to index
      %swap3A_244 = arith.constant 112 : index
      %swap3A_245 = tpu.vector_load %arg5[%swap3A_242, %swap3A_243, %swap3A_244] {strides = array<i32>} : memref<2x64x133xf32, #tpu.memory_space<vmem>>, vector<16xf32>,
      tpu.vector_store %arg5[%swap3A_242, %swap3A_243, %swap3A_244], %broadcast_in_dim3A_3 {strides = array<i32>} : memref<2x64x133xf32, #tpu.memory_space<vmem>>, vector<16xf32>,
      %broadcast_in_dim3A_246 = arith.constant 0 : i32
      %broadcast_in_dim3A_247 = vector.broadcast %broadcast_in_dim3A_246 : i32 to vector<16xi32>
      %add3A_248 = vector.broadcast %scan3A_205 : i32 to vector<16xi32>
      %add3A_249 = arith.addi %broadcast_in_dim3A_247, %add3A_248 : vector<16xi32>
      %scatter3A = arith.constant 1 : i32
      %scatter3A_250 = arith.constant 0 : i32
      %scatter3A_251 = arith.constant 0 : i32
      %scatter3A_252 = tpu.memref_slice %arg5[%scatter3A, %scatter3A_250, %scatter3A_251] : memref<2x64x133xf32, #tpu.memory_space<vmem>> -> memref<1x64x133xf32, #tpu.memory_space<vmem>>
      %scatter3A_253 = tpu.memref_squeeze %scatter3A_252 : memref<1x64x133xf32, #tpu.memory_space<vmem>> -> memref<64x133xf32, #tpu.memory_space<vmem>>
      tpu.vector_store_idx %scatter3A_253[%add3A_249, %add3A_121], %broadcast_in_dim3A_3 masked %lt3A_124 : memref<64x133xf32, #tpu.memory_space<vmem>>[vector<16xi32>, vector<16xi32>], vector<16xf32>, vector<16xi1>
    }
    %scan3A_135 = arith.constant 64 : i32
    %broadcast_in_dim3A_136 = arith.constant 0 : i32
    %broadcast_in_dim3A_137 = vector.broadcast %broadcast_in_dim3A_136 : i32 to vector<16xi32>
    %swap3A = arith.constant 0 : index
    %swap3A_138 = tpu.vector_load %arg9[%swap3A] {strides = array<i32>} : memref<128xi32, #tpu.memory_space<vmem>>, vector<16xi32>,
    tpu.vector_store %arg9[%swap3A], %broadcast_in_dim3A_137 {strides = array<i32>} : memref<128xi32, #tpu.memory_space<vmem>>, vector<16xi32>,
    %broadcast_in_dim3A_139 = arith.constant 0 : i32
    %broadcast_in_dim3A_140 = vector.broadcast %broadcast_in_dim3A_139 : i32 to vector<16xi32>
    %swap3A_141 = arith.constant 16 : index
    %swap3A_142 = tpu.vector_load %arg9[%swap3A_141] {strides = array<i32>} : memref<128xi32, #tpu.memory_space<vmem>>, vector<16xi32>,
    tpu.vector_store %arg9[%swap3A_141], %broadcast_in_dim3A_140 {strides = array<i32>} : memref<128xi32, #tpu.memory_space<vmem>>, vector<16xi32>,
    %broadcast_in_dim3A_143 = arith.constant 0 : i32
    %broadcast_in_dim3A_144 = vector.broadcast %broadcast_in_dim3A_143 : i32 to vector<16xi32>
    %swap3A_145 = arith.constant 32 : index
    %swap3A_146 = tpu.vector_load %arg9[%swap3A_145] {strides = array<i32>} : memref<128xi32, #tpu.memory_space<vmem>>, vector<16xi32>,
    tpu.vector_store %arg9[%swap3A_145], %broadcast_in_dim3A_144 {strides = array<i32>} : memref<128xi32, #tpu.memory_space<vmem>>, vector<16xi32>,
    %broadcast_in_dim3A_147 = arith.constant 0 : i32
    %broadcast_in_dim3A_148 = vector.broadcast %broadcast_in_dim3A_147 : i32 to vector<16xi32>
    %swap3A_149 = arith.constant 48 : index
    %swap3A_150 = tpu.vector_load %arg9[%swap3A_149] {strides = array<i32>} : memref<128xi32, #tpu.memory_space<vmem>>, vector<16xi32>,
    tpu.vector_store %arg9[%swap3A_149], %broadcast_in_dim3A_148 {strides = array<i32>} : memref<128xi32, #tpu.memory_space<vmem>>, vector<16xi32>,
    %broadcast_in_dim3A_151 = arith.constant 0 : i32
    %broadcast_in_dim3A_152 = vector.broadcast %broadcast_in_dim3A_151 : i32 to vector<16xi32>
    %swap3A_153 = arith.constant 64 : index
    %swap3A_154 = tpu.vector_load %arg9[%swap3A_153] {strides = array<i32>} : memref<128xi32, #tpu.memory_space<vmem>>, vector<16xi32>,
    tpu.vector_store %arg9[%swap3A_153], %broadcast_in_dim3A_152 {strides = array<i32>} : memref<128xi32, #tpu.memory_space<vmem>>, vector<16xi32>,
    %broadcast_in_dim3A_155 = arith.constant 0 : i32
    %broadcast_in_dim3A_156 = vector.broadcast %broadcast_in_dim3A_155 : i32 to vector<16xi32>
    %swap3A_157 = arith.constant 80 : index
    %swap3A_158 = tpu.vector_load %arg9[%swap3A_157] {strides = array<i32>} : memref<128xi32, #tpu.memory_space<vmem>>, vector<16xi32>,
    tpu.vector_store %arg9[%swap3A_157], %broadcast_in_dim3A_156 {strides = array<i32>} : memref<128xi32, #tpu.memory_space<vmem>>, vector<16xi32>,
    %broadcast_in_dim3A_159 = arith.constant 0 : i32
    %broadcast_in_dim3A_160 = vector.broadcast %broadcast_in_dim3A_159 : i32 to vector<16xi32>
    %swap3A_161 = arith.constant 96 : index
    %swap3A_162 = tpu.vector_load %arg9[%swap3A_161] {strides = array<i32>} : memref<128xi32, #tpu.memory_space<vmem>>, vector<16xi32>,
    tpu.vector_store %arg9[%swap3A_161], %broadcast_in_dim3A_160 {strides = array<i32>} : memref<128xi32, #tpu.memory_space<vmem>>, vector<16xi32>,
    %broadcast_in_dim3A_163 = arith.constant 0 : i32
    %broadcast_in_dim3A_164 = vector.broadcast %broadcast_in_dim3A_163 : i32 to vector<16xi32>
    %swap3A_165 = arith.constant 112 : index
    %swap3A_166 = tpu.vector_load %arg9[%swap3A_165] {strides = array<i32>} : memref<128xi32, #tpu.memory_space<vmem>>, vector<16xi32>,
    tpu.vector_store %arg9[%swap3A_165], %broadcast_in_dim3A_164 {strides = array<i32>} : memref<128xi32, #tpu.memory_space<vmem>>, vector<16xi32>,
    %eq3A_167 = arith.constant 0 : i32
    %eq3A_168 = arith.cmpi eq, %add3A, %eq3A_167 : i32
    %convert_element_type3A = arith.extui %eq3A_168 : i1 to i32
    %cond3A = arith.constant 0 : i32
    %cond3A_169 = arith.cmpi ne, %convert_element_type3A, %cond3A : i32
    scf.if %cond3A_169 {
      %dma_start3A_205 = arith.constant 0 : i32
      %dma_start3A_206 = arith.constant 0 : i32
      %dma_start3A_207 = tpu.memref_slice %arg2[%dma_start3A_205, %dma_start3A_206] : memref<262144x133xf32, #tpu.memory_space<hbm>> -> memref<144x133xf32, #tpu.memory_space<hbm>>
      %dma_start3A_208 = arith.constant 0 : i32
      %dma_start3A_209 = arith.constant 0 : i32
      %dma_start3A_210 = tpu.memref_slice %arg2[%dma_start3A_208, %dma_start3A_209] : memref<262144x133xf32, #tpu.memory_space<hbm>> -> memref<144x133xf32, #tpu.memory_space<hbm>>
      tpu.enqueue_dma source(%dma_start3A_210 : memref<144x133xf32, #tpu.memory_space<hbm>>) target(%arg6 : memref<144x133xf32, #tpu.memory_space<vmem>>) target_semaphore(%arg14 : memref<!tpu.dma_semaphore, #tpu.memory_space<semaphore_mem>>)
      %dma_wait3A_211 = arith.constant 0 : i32
      %dma_wait3A_212 = arith.constant 0 : i32
      %dma_wait3A_213 = tpu.memref_slice %arg2[%dma_wait3A_211, %dma_wait3A_212] : memref<262144x133xf32, #tpu.memory_space<hbm>> -> memref<144x133xf32, #tpu.memory_space<hbm>>
      %dma_wait3A_214 = arith.constant 0 : i32
      %dma_wait3A_215 = arith.constant 0 : i32
      %dma_wait3A_216 = tpu.memref_slice %arg2[%dma_wait3A_214, %dma_wait3A_215] : memref<262144x133xf32, #tpu.memory_space<hbm>> -> memref<144x133xf32, #tpu.memory_space<hbm>>
      tpu.wait_dma2 semaphore(%arg14 : memref<!tpu.dma_semaphore, #tpu.memory_space<semaphore_mem>>) src(%dma_wait3A_216 : memref<144x133xf32, #tpu.memory_space<hbm>>) dst(%arg6 : memref<144x133xf32, #tpu.memory_space<vmem>>)
      %swap3A_217 = arith.constant 0 : index
      %swap3A_218 = tpu.vector_load %arg8[%swap3A_217] {strides = array<i32>} : memref<144xf32, #tpu.memory_space<vmem>>, vector<16xf32>,
      tpu.vector_store %arg8[%swap3A_217], %broadcast_in_dim3A_5 {strides = array<i32>} : memref<144xf32, #tpu.memory_space<vmem>>, vector<16xf32>,
      %swap3A_219 = arith.constant 16 : index
      %swap3A_220 = tpu.vector_load %arg8[%swap3A_219] {strides = array<i32>} : memref<144xf32, #tpu.memory_space<vmem>>, vector<16xf32>,
      tpu.vector_store %arg8[%swap3A_219], %broadcast_in_dim3A_5 {strides = array<i32>} : memref<144xf32, #tpu.memory_space<vmem>>, vector<16xf32>,
      %swap3A_221 = arith.constant 32 : index
      %swap3A_222 = tpu.vector_load %arg8[%swap3A_221] {strides = array<i32>} : memref<144xf32, #tpu.memory_space<vmem>>, vector<16xf32>,
      tpu.vector_store %arg8[%swap3A_221], %broadcast_in_dim3A_5 {strides = array<i32>} : memref<144xf32, #tpu.memory_space<vmem>>, vector<16xf32>,
      %swap3A_223 = arith.constant 48 : index
      %swap3A_224 = tpu.vector_load %arg8[%swap3A_223] {strides = array<i32>} : memref<144xf32, #tpu.memory_space<vmem>>, vector<16xf32>,
      tpu.vector_store %arg8[%swap3A_223], %broadcast_in_dim3A_5 {strides = array<i32>} : memref<144xf32, #tpu.memory_space<vmem>>, vector<16xf32>,
      %swap3A_225 = arith.constant 64 : index
      %swap3A_226 = tpu.vector_load %arg8[%swap3A_225] {strides = array<i32>} : memref<144xf32, #tpu.memory_space<vmem>>, vector<16xf32>,
      tpu.vector_store %arg8[%swap3A_225], %broadcast_in_dim3A_5 {strides = array<i32>} : memref<144xf32, #tpu.memory_space<vmem>>, vector<16xf32>,
      %swap3A_227 = arith.constant 80 : index
      %swap3A_228 = tpu.vector_load %arg8[%swap3A_227] {strides = array<i32>} : memref<144xf32, #tpu.memory_space<vmem>>, vector<16xf32>,
      tpu.vector_store %arg8[%swap3A_227], %broadcast_in_dim3A_5 {strides = array<i32>} : memref<144xf32, #tpu.memory_space<vmem>>, vector<16xf32>,
      %swap3A_229 = arith.constant 96 : index
      %swap3A_230 = tpu.vector_load %arg8[%swap3A_229] {strides = array<i32>} : memref<144xf32, #tpu.memory_space<vmem>>, vector<16xf32>,
      tpu.vector_store %arg8[%swap3A_229], %broadcast_in_dim3A_5 {strides = array<i32>} : memref<144xf32, #tpu.memory_space<vmem>>, vector<16xf32>,
      %swap3A_231 = arith.constant 112 : index
      %swap3A_232 = tpu.vector_load %arg8[%swap3A_231] {strides = array<i32>} : memref<144xf32, #tpu.memory_space<vmem>>, vector<16xf32>,
      tpu.vector_store %arg8[%swap3A_231], %broadcast_in_dim3A_5 {strides = array<i32>} : memref<144xf32, #tpu.memory_space<vmem>>, vector<16xf32>,
      %swap3A_233 = arith.constant 128 : index
      %swap3A_234 = tpu.vector_load %arg8[%swap3A_233] {strides = array<i32>} : memref<144xf32, #tpu.memory_space<vmem>>, vector<16xf32>,
      tpu.vector_store %arg8[%swap3A_233], %broadcast_in_dim3A_5 {strides = array<i32>} : memref<144xf32, #tpu.memory_space<vmem>>, vector<16xf32>,
      %scan3A_235 = arith.constant 0 : i32
      %scan3A_236 = arith.constant 0 : i32
      %scan3A_237 = arith.constant 133 : i32
      %scan3A_238 = arith.addi %scan3A_236, %scan3A_237 : i32
      %scan3A_239 = arith.constant 1 : i32
      scf.for %scan3A_241 = %scan3A_236 to %scan3A_238 step %scan3A_239  : i32 {
        %broadcast_in_dim3A_242 = arith.constant 0 : i32
        %broadcast_in_dim3A_243 = vector.broadcast %broadcast_in_dim3A_242 : i32 to vector<16xi32>
        %add3A_244 = vector.broadcast %scan3A_241 : i32 to vector<16xi32>
        %add3A_245 = arith.addi %broadcast_in_dim3A_243, %add3A_244 : vector<16xi32>
        %broadcast_in_dim3A_246 = arith.constant 0 : i32
        %broadcast_in_dim3A_247 = vector.broadcast %broadcast_in_dim3A_246 : i32 to vector<16xi32>
        %gather3A = tpu.vector_load_idx %arg6[%add3A_245, %add3A_65] masked %lt3A_14 : memref<144x133xf32, #tpu.memory_space<vmem>>[vector<16xi32>, vector<16xi32>], vector<16xf32>, vector<16xi1>
        %get3A = arith.constant 0 : index
        %get3A_248 = tpu.vector_load %arg8[%get3A] {strides = array<i32>} : memref<144xf32, #tpu.memory_space<vmem>>, vector<16xf32>,
        %gt3A = arith.constant 0.000000e+00 : f32
        %gt3A_249 = vector.broadcast %gt3A : f32 to vector<16xf32>
        %gt3A_250 = arith.cmpf ogt, %get3A_248, %gt3A_249 : vector<16xf32>
        %and3A = arith.andi %gt3A_250, %lt3A_14 : vector<16xi1>
        %select_n3A = arith.select %and3A, %gather3A, %broadcast_in_dim3A_7 : vector<16xi1>, vector<16xf32>
        %gt3A_251 = arith.cmpf ogt, %select_n3A, %broadcast_in_dim3A_7 : vector<16xf32>
        %select_n3A_252 = arith.select %gt3A_251, %select_n3A, %broadcast_in_dim3A_7 : vector<16xi1>, vector<16xf32>
        %select_n3A_253 = arith.select %gt3A_251, %add3A_65, %broadcast_in_dim3A_247 : vector<16xi1>, vector<16xi32>
        %gather3A_254 = tpu.vector_load_idx %arg6[%add3A_245, %add3A_68] masked %lt3A_20 : memref<144x133xf32, #tpu.memory_space<vmem>>[vector<16xi32>, vector<16xi32>], vector<16xf32>, vector<16xi1>
        %get3A_255 = arith.constant 16 : index
        %get3A_256 = tpu.vector_load %arg8[%get3A_255] {strides = array<i32>} : memref<144xf32, #tpu.memory_space<vmem>>, vector<16xf32>,
        %gt3A_257 = arith.constant 0.000000e+00 : f32
        %gt3A_258 = vector.broadcast %gt3A_257 : f32 to vector<16xf32>
        %gt3A_259 = arith.cmpf ogt, %get3A_256, %gt3A_258 : vector<16xf32>
        %and3A_260 = arith.andi %gt3A_259, %lt3A_20 : vector<16xi1>
        %select_n3A_261 = arith.select %and3A_260, %gather3A_254, %broadcast_in_dim3A_7 : vector<16xi1>, vector<16xf32>
        %gt3A_262 = arith.cmpf ogt, %select_n3A_261, %select_n3A_252 : vector<16xf32>
        %select_n3A_263 = arith.select %gt3A_262, %select_n3A_261, %select_n3A_252 : vector<16xi1>, vector<16xf32>
        %select_n3A_264 = arith.select %gt3A_262, %add3A_68, %select_n3A_253 : vector<16xi1>, vector<16xi32>
        %gather3A_265 = tpu.vector_load_idx %arg6[%add3A_245, %add3A_71] masked %lt3A_26 : memref<144x133xf32, #tpu.memory_space<vmem>>[vector<16xi32>, vector<16xi32>], vector<16xf32>, vector<16xi1>
        %get3A_266 = arith.constant 32 : index
        %get3A_267 = tpu.vector_load %arg8[%get3A_266] {strides = array<i32>} : memref<144xf32, #tpu.memory_space<vmem>>, vector<16xf32>,
        %gt3A_268 = arith.constant 0.000000e+00 : f32
        %gt3A_269 = vector.broadcast %gt3A_268 : f32 to vector<16xf32>
        %gt3A_270 = arith.cmpf ogt, %get3A_267, %gt3A_269 : vector<16xf32>
        %and3A_271 = arith.andi %gt3A_270, %lt3A_26 : vector<16xi1>
        %select_n3A_272 = arith.select %and3A_271, %gather3A_265, %broadcast_in_dim3A_7 : vector<16xi1>, vector<16xf32>
        %gt3A_273 = arith.cmpf ogt, %select_n3A_272, %select_n3A_263 : vector<16xf32>
        %select_n3A_274 = arith.select %gt3A_273, %select_n3A_272, %select_n3A_263 : vector<16xi1>, vector<16xf32>
        %select_n3A_275 = arith.select %gt3A_273, %add3A_71, %select_n3A_264 : vector<16xi1>, vector<16xi32>
        %gather3A_276 = tpu.vector_load_idx %arg6[%add3A_245, %add3A_74] masked %lt3A_32 : memref<144x133xf32, #tpu.memory_space<vmem>>[vector<16xi32>, vector<16xi32>], vector<16xf32>, vector<16xi1>
        %get3A_277 = arith.constant 48 : index
        %get3A_278 = tpu.vector_load %arg8[%get3A_277] {strides = array<i32>} : memref<144xf32, #tpu.memory_space<vmem>>, vector<16xf32>,
        %gt3A_279 = arith.constant 0.000000e+00 : f32
        %gt3A_280 = vector.broadcast %gt3A_279 : f32 to vector<16xf32>
        %gt3A_281 = arith.cmpf ogt, %get3A_278, %gt3A_280 : vector<16xf32>
        %and3A_282 = arith.andi %gt3A_281, %lt3A_32 : vector<16xi1>
        %select_n3A_283 = arith.select %and3A_282, %gather3A_276, %broadcast_in_dim3A_7 : vector<16xi1>, vector<16xf32>
        %gt3A_284 = arith.cmpf ogt, %select_n3A_283, %select_n3A_274 : vector<16xf32>
        %select_n3A_285 = arith.select %gt3A_284, %select_n3A_283, %select_n3A_274 : vector<16xi1>, vector<16xf32>
        %select_n3A_286 = arith.select %gt3A_284, %add3A_74, %select_n3A_275 : vector<16xi1>, vector<16xi32>
        %gather3A_287 = tpu.vector_load_idx %arg6[%add3A_245, %add3A_77] masked %lt3A_38 : memref<144x133xf32, #tpu.memory_space<vmem>>[vector<16xi32>, vector<16xi32>], vector<16xf32>, vector<16xi1>
        %get3A_288 = arith.constant 64 : index
        %get3A_289 = tpu.vector_load %arg8[%get3A_288] {strides = array<i32>} : memref<144xf32, #tpu.memory_space<vmem>>, vector<16xf32>,
        %gt3A_290 = arith.constant 0.000000e+00 : f32
        %gt3A_291 = vector.broadcast %gt3A_290 : f32 to vector<16xf32>
        %gt3A_292 = arith.cmpf ogt, %get3A_289, %gt3A_291 : vector<16xf32>
        %and3A_293 = arith.andi %gt3A_292, %lt3A_38 : vector<16xi1>
        %select_n3A_294 = arith.select %and3A_293, %gather3A_287, %broadcast_in_dim3A_7 : vector<16xi1>, vector<16xf32>
        %gt3A_295 = arith.cmpf ogt, %select_n3A_294, %select_n3A_285 : vector<16xf32>
        %select_n3A_296 = arith.select %gt3A_295, %select_n3A_294, %select_n3A_285 : vector<16xi1>, vector<16xf32>
        %select_n3A_297 = arith.select %gt3A_295, %add3A_77, %select_n3A_286 : vector<16xi1>, vector<16xi32>
        %gather3A_298 = tpu.vector_load_idx %arg6[%add3A_245, %add3A_80] masked %lt3A_44 : memref<144x133xf32, #tpu.memory_space<vmem>>[vector<16xi32>, vector<16xi32>], vector<16xf32>, vector<16xi1>
        %get3A_299 = arith.constant 80 : index
        %get3A_300 = tpu.vector_load %arg8[%get3A_299] {strides = array<i32>} : memref<144xf32, #tpu.memory_space<vmem>>, vector<16xf32>,
        %gt3A_301 = arith.constant 0.000000e+00 : f32
        %gt3A_302 = vector.broadcast %gt3A_301 : f32 to vector<16xf32>
        %gt3A_303 = arith.cmpf ogt, %get3A_300, %gt3A_302 : vector<16xf32>
        %and3A_304 = arith.andi %gt3A_303, %lt3A_44 : vector<16xi1>
        %select_n3A_305 = arith.select %and3A_304, %gather3A_298, %broadcast_in_dim3A_7 : vector<16xi1>, vector<16xf32>
        %gt3A_306 = arith.cmpf ogt, %select_n3A_305, %select_n3A_296 : vector<16xf32>
        %select_n3A_307 = arith.select %gt3A_306, %select_n3A_305, %select_n3A_296 : vector<16xi1>, vector<16xf32>
        %select_n3A_308 = arith.select %gt3A_306, %add3A_80, %select_n3A_297 : vector<16xi1>, vector<16xi32>
        %gather3A_309 = tpu.vector_load_idx %arg6[%add3A_245, %add3A_83] masked %lt3A_50 : memref<144x133xf32, #tpu.memory_space<vmem>>[vector<16xi32>, vector<16xi32>], vector<16xf32>, vector<16xi1>
        %get3A_310 = arith.constant 96 : index
        %get3A_311 = tpu.vector_load %arg8[%get3A_310] {strides = array<i32>} : memref<144xf32, #tpu.memory_space<vmem>>, vector<16xf32>,
        %gt3A_312 = arith.constant 0.000000e+00 : f32
        %gt3A_313 = vector.broadcast %gt3A_312 : f32 to vector<16xf32>
        %gt3A_314 = arith.cmpf ogt, %get3A_311, %gt3A_313 : vector<16xf32>
        %and3A_315 = arith.andi %gt3A_314, %lt3A_50 : vector<16xi1>
        %select_n3A_316 = arith.select %and3A_315, %gather3A_309, %broadcast_in_dim3A_7 : vector<16xi1>, vector<16xf32>
        %gt3A_317 = arith.cmpf ogt, %select_n3A_316, %select_n3A_307 : vector<16xf32>
        %select_n3A_318 = arith.select %gt3A_317, %select_n3A_316, %select_n3A_307 : vector<16xi1>, vector<16xf32>
        %select_n3A_319 = arith.select %gt3A_317, %add3A_83, %select_n3A_308 : vector<16xi1>, vector<16xi32>
        %gather3A_320 = tpu.vector_load_idx %arg6[%add3A_245, %add3A_86] masked %lt3A_56 : memref<144x133xf32, #tpu.memory_space<vmem>>[vector<16xi32>, vector<16xi32>], vector<16xf32>, vector<16xi1>
        %get3A_321 = arith.constant 112 : index
        %get3A_322 = tpu.vector_load %arg8[%get3A_321] {strides = array<i32>} : memref<144xf32, #tpu.memory_space<vmem>>, vector<16xf32>,
        %gt3A_323 = arith.constant 0.000000e+00 : f32
        %gt3A_324 = vector.broadcast %gt3A_323 : f32 to vector<16xf32>
        %gt3A_325 = arith.cmpf ogt, %get3A_322, %gt3A_324 : vector<16xf32>
        %and3A_326 = arith.andi %gt3A_325, %lt3A_56 : vector<16xi1>
        %select_n3A_327 = arith.select %and3A_326, %gather3A_320, %broadcast_in_dim3A_7 : vector<16xi1>, vector<16xf32>
        %gt3A_328 = arith.cmpf ogt, %select_n3A_327, %select_n3A_318 : vector<16xf32>
        %select_n3A_329 = arith.select %gt3A_328, %select_n3A_327, %select_n3A_318 : vector<16xi1>, vector<16xf32>
        %select_n3A_330 = arith.select %gt3A_328, %add3A_86, %select_n3A_319 : vector<16xi1>, vector<16xi32>
        %gather3A_331 = tpu.vector_load_idx %arg6[%add3A_245, %add3A_89] masked %lt3A_62 : memref<144x133xf32, #tpu.memory_space<vmem>>[vector<16xi32>, vector<16xi32>], vector<16xf32>, vector<16xi1>
        %get3A_332 = arith.constant 128 : index
        %get3A_333 = tpu.vector_load %arg8[%get3A_332] {strides = array<i32>} : memref<144xf32, #tpu.memory_space<vmem>>, vector<16xf32>,
        %gt3A_334 = arith.constant 0.000000e+00 : f32
        %gt3A_335 = vector.broadcast %gt3A_334 : f32 to vector<16xf32>
        %gt3A_336 = arith.cmpf ogt, %get3A_333, %gt3A_335 : vector<16xf32>
        %and3A_337 = arith.andi %gt3A_336, %lt3A_62 : vector<16xi1>
        %select_n3A_338 = arith.select %and3A_337, %gather3A_331, %broadcast_in_dim3A_7 : vector<16xi1>, vector<16xf32>
        %gt3A_339 = arith.cmpf ogt, %select_n3A_338, %select_n3A_329 : vector<16xf32>
        %select_n3A_340 = arith.select %gt3A_339, %select_n3A_338, %select_n3A_329 : vector<16xi1>, vector<16xf32>
        %select_n3A_341 = arith.select %gt3A_339, %add3A_89, %select_n3A_330 : vector<16xi1>, vector<16xi32>
        %slice3A = vector.extract_strided_slice %select_n3A_340 {offsets = [0], sizes = [1], strides = [1]} : vector<16xf32> to vector<1xf32>
        %squeeze3A = vector.extract %slice3A[0] : f32 from vector<1xf32>
        %slice3A_342 = vector.extract_strided_slice %select_n3A_341 {offsets = [0], sizes = [1], strides = [1]} : vector<16xi32> to vector<1xi32>
        %squeeze3A_343 = vector.extract %slice3A_342[0] : i32 from vector<1xi32>
        %slice3A_344 = vector.extract_strided_slice %select_n3A_340 {offsets = [1], sizes = [1], strides = [1]} : vector<16xf32> to vector<1xf32>
        %squeeze3A_345 = vector.extract %slice3A_344[0] : f32 from vector<1xf32>
        %slice3A_346 = vector.extract_strided_slice %select_n3A_341 {offsets = [1], sizes = [1], strides = [1]} : vector<16xi32> to vector<1xi32>
        %squeeze3A_347 = vector.extract %slice3A_346[0] : i32 from vector<1xi32>
        %gt3A_348 = arith.cmpf ogt, %squeeze3A_345, %squeeze3A : f32
        %eq3A_349 = arith.cmpf oeq, %squeeze3A_345, %squeeze3A : f32
        %lt3A_350 = arith.cmpi slt, %squeeze3A_347, %squeeze3A_343 : i32
        %and3A_351 = arith.andi %eq3A_349, %lt3A_350 : i1
        %or3A = arith.ori %gt3A_348, %and3A_351 : i1
        %select_n3A_352 = arith.select %or3A, %squeeze3A_345, %squeeze3A : f32
        %select_n3A_353 = arith.select %or3A, %squeeze3A_347, %squeeze3A_343 : i32
        %slice3A_354 = vector.extract_strided_slice %select_n3A_340 {offsets = [2], sizes = [1], strides = [1]} : vector<16xf32> to vector<1xf32>
        %squeeze3A_355 = vector.extract %slice3A_354[0] : f32 from vector<1xf32>
        %slice3A_356 = vector.extract_strided_slice %select_n3A_341 {offsets = [2], sizes = [1], strides = [1]} : vector<16xi32> to vector<1xi32>
        %squeeze3A_357 = vector.extract %slice3A_356[0] : i32 from vector<1xi32>
        %gt3A_358 = arith.cmpf ogt, %squeeze3A_355, %select_n3A_352 : f32
        %eq3A_359 = arith.cmpf oeq, %squeeze3A_355, %select_n3A_352 : f32
        %lt3A_360 = arith.cmpi slt, %squeeze3A_357, %select_n3A_353 : i32
        %and3A_361 = arith.andi %eq3A_359, %lt3A_360 : i1
        %or3A_362 = arith.ori %gt3A_358, %and3A_361 : i1
        %select_n3A_363 = arith.select %or3A_362, %squeeze3A_355, %select_n3A_352 : f32
        %select_n3A_364 = arith.select %or3A_362, %squeeze3A_357, %select_n3A_353 : i32
        %slice3A_365 = vector.extract_strided_slice %select_n3A_340 {offsets = [3], sizes = [1], strides = [1]} : vector<16xf32> to vector<1xf32>
        %squeeze3A_366 = vector.extract %slice3A_365[0] : f32 from vector<1xf32>
        %slice3A_367 = vector.extract_strided_slice %select_n3A_341 {offsets = [3], sizes = [1], strides = [1]} : vector<16xi32> to vector<1xi32>
        %squeeze3A_368 = vector.extract %slice3A_367[0] : i32 from vector<1xi32>
        %gt3A_369 = arith.cmpf ogt, %squeeze3A_366, %select_n3A_363 : f32
        %eq3A_370 = arith.cmpf oeq, %squeeze3A_366, %select_n3A_363 : f32
        %lt3A_371 = arith.cmpi slt, %squeeze3A_368, %select_n3A_364 : i32
        %and3A_372 = arith.andi %eq3A_370, %lt3A_371 : i1
        %or3A_373 = arith.ori %gt3A_369, %and3A_372 : i1
        %select_n3A_374 = arith.select %or3A_373, %squeeze3A_366, %select_n3A_363 : f32
        %select_n3A_375 = arith.select %or3A_373, %squeeze3A_368, %select_n3A_364 : i32
        %slice3A_376 = vector.extract_strided_slice %select_n3A_340 {offsets = [4], sizes = [1], strides = [1]} : vector<16xf32> to vector<1xf32>
        %squeeze3A_377 = vector.extract %slice3A_376[0] : f32 from vector<1xf32>
        %slice3A_378 = vector.extract_strided_slice %select_n3A_341 {offsets = [4], sizes = [1], strides = [1]} : vector<16xi32> to vector<1xi32>
        %squeeze3A_379 = vector.extract %slice3A_378[0] : i32 from vector<1xi32>
        %gt3A_380 = arith.cmpf ogt, %squeeze3A_377, %select_n3A_374 : f32
        %eq3A_381 = arith.cmpf oeq, %squeeze3A_377, %select_n3A_374 : f32
        %lt3A_382 = arith.cmpi slt, %squeeze3A_379, %select_n3A_375 : i32
        %and3A_383 = arith.andi %eq3A_381, %lt3A_382 : i1
        %or3A_384 = arith.ori %gt3A_380, %and3A_383 : i1
        %select_n3A_385 = arith.select %or3A_384, %squeeze3A_377, %select_n3A_374 : f32
        %select_n3A_386 = arith.select %or3A_384, %squeeze3A_379, %select_n3A_375 : i32
        %slice3A_387 = vector.extract_strided_slice %select_n3A_340 {offsets = [5], sizes = [1], strides = [1]} : vector<16xf32> to vector<1xf32>
        %squeeze3A_388 = vector.extract %slice3A_387[0] : f32 from vector<1xf32>
        %slice3A_389 = vector.extract_strided_slice %select_n3A_341 {offsets = [5], sizes = [1], strides = [1]} : vector<16xi32> to vector<1xi32>
        %squeeze3A_390 = vector.extract %slice3A_389[0] : i32 from vector<1xi32>
        %gt3A_391 = arith.cmpf ogt, %squeeze3A_388, %select_n3A_385 : f32
        %eq3A_392 = arith.cmpf oeq, %squeeze3A_388, %select_n3A_385 : f32
        %lt3A_393 = arith.cmpi slt, %squeeze3A_390, %select_n3A_386 : i32
        %and3A_394 = arith.andi %eq3A_392, %lt3A_393 : i1
        %or3A_395 = arith.ori %gt3A_391, %and3A_394 : i1
        %select_n3A_396 = arith.select %or3A_395, %squeeze3A_388, %select_n3A_385 : f32
        %select_n3A_397 = arith.select %or3A_395, %squeeze3A_390, %select_n3A_386 : i32
        %slice3A_398 = vector.extract_strided_slice %select_n3A_340 {offsets = [6], sizes = [1], strides = [1]} : vector<16xf32> to vector<1xf32>
        %squeeze3A_399 = vector.extract %slice3A_398[0] : f32 from vector<1xf32>
        %slice3A_400 = vector.extract_strided_slice %select_n3A_341 {offsets = [6], sizes = [1], strides = [1]} : vector<16xi32> to vector<1xi32>
        %squeeze3A_401 = vector.extract %slice3A_400[0] : i32 from vector<1xi32>
        %gt3A_402 = arith.cmpf ogt, %squeeze3A_399, %select_n3A_396 : f32
        %eq3A_403 = arith.cmpf oeq, %squeeze3A_399, %select_n3A_396 : f32
        %lt3A_404 = arith.cmpi slt, %squeeze3A_401, %select_n3A_397 : i32
        %and3A_405 = arith.andi %eq3A_403, %lt3A_404 : i1
        %or3A_406 = arith.ori %gt3A_402, %and3A_405 : i1
        %select_n3A_407 = arith.select %or3A_406, %squeeze3A_399, %select_n3A_396 : f32
        %select_n3A_408 = arith.select %or3A_406, %squeeze3A_401, %select_n3A_397 : i32
        %slice3A_409 = vector.extract_strided_slice %select_n3A_340 {offsets = [7], sizes = [1], strides = [1]} : vector<16xf32> to vector<1xf32>
        %squeeze3A_410 = vector.extract %slice3A_409[0] : f32 from vector<1xf32>
        %slice3A_411 = vector.extract_strided_slice %select_n3A_341 {offsets = [7], sizes = [1], strides = [1]} : vector<16xi32> to vector<1xi32>
        %squeeze3A_412 = vector.extract %slice3A_411[0] : i32 from vector<1xi32>
        %gt3A_413 = arith.cmpf ogt, %squeeze3A_410, %select_n3A_407 : f32
        %eq3A_414 = arith.cmpf oeq, %squeeze3A_410, %select_n3A_407 : f32
        %lt3A_415 = arith.cmpi slt, %squeeze3A_412, %select_n3A_408 : i32
        %and3A_416 = arith.andi %eq3A_414, %lt3A_415 : i1
        %or3A_417 = arith.ori %gt3A_413, %and3A_416 : i1
        %select_n3A_418 = arith.select %or3A_417, %squeeze3A_410, %select_n3A_407 : f32
        %select_n3A_419 = arith.select %or3A_417, %squeeze3A_412, %select_n3A_408 : i32
        %slice3A_420 = vector.extract_strided_slice %select_n3A_340 {offsets = [8], sizes = [1], strides = [1]} : vector<16xf32> to vector<1xf32>
        %squeeze3A_421 = vector.extract %slice3A_420[0] : f32 from vector<1xf32>
        %slice3A_422 = vector.extract_strided_slice %select_n3A_341 {offsets = [8], sizes = [1], strides = [1]} : vector<16xi32> to vector<1xi32>
        %squeeze3A_423 = vector.extract %slice3A_422[0] : i32 from vector<1xi32>
        %gt3A_424 = arith.cmpf ogt, %squeeze3A_421, %select_n3A_418 : f32
        %eq3A_425 = arith.cmpf oeq, %squeeze3A_421, %select_n3A_418 : f32
        %lt3A_426 = arith.cmpi slt, %squeeze3A_423, %select_n3A_419 : i32
        %and3A_427 = arith.andi %eq3A_425, %lt3A_426 : i1
        %or3A_428 = arith.ori %gt3A_424, %and3A_427 : i1
        %select_n3A_429 = arith.select %or3A_428, %squeeze3A_421, %select_n3A_418 : f32
        %select_n3A_430 = arith.select %or3A_428, %squeeze3A_423, %select_n3A_419 : i32
        %slice3A_431 = vector.extract_strided_slice %select_n3A_340 {offsets = [9], sizes = [1], strides = [1]} : vector<16xf32> to vector<1xf32>
        %squeeze3A_432 = vector.extract %slice3A_431[0] : f32 from vector<1xf32>
        %slice3A_433 = vector.extract_strided_slice %select_n3A_341 {offsets = [9], sizes = [1], strides = [1]} : vector<16xi32> to vector<1xi32>
        %squeeze3A_434 = vector.extract %slice3A_433[0] : i32 from vector<1xi32>
        %gt3A_435 = arith.cmpf ogt, %squeeze3A_432, %select_n3A_429 : f32
        %eq3A_436 = arith.cmpf oeq, %squeeze3A_432, %select_n3A_429 : f32
        %lt3A_437 = arith.cmpi slt, %squeeze3A_434, %select_n3A_430 : i32
        %and3A_438 = arith.andi %eq3A_436, %lt3A_437 : i1
        %or3A_439 = arith.ori %gt3A_435, %and3A_438 : i1
        %select_n3A_440 = arith.select %or3A_439, %squeeze3A_432, %select_n3A_429 : f32
        %select_n3A_441 = arith.select %or3A_439, %squeeze3A_434, %select_n3A_430 : i32
        %slice3A_442 = vector.extract_strided_slice %select_n3A_340 {offsets = [10], sizes = [1], strides = [1]} : vector<16xf32> to vector<1xf32>
        %squeeze3A_443 = vector.extract %slice3A_442[0] : f32 from vector<1xf32>
        %slice3A_444 = vector.extract_strided_slice %select_n3A_341 {offsets = [10], sizes = [1], strides = [1]} : vector<16xi32> to vector<1xi32>
        %squeeze3A_445 = vector.extract %slice3A_444[0] : i32 from vector<1xi32>
        %gt3A_446 = arith.cmpf ogt, %squeeze3A_443, %select_n3A_440 : f32
        %eq3A_447 = arith.cmpf oeq, %squeeze3A_443, %select_n3A_440 : f32
        %lt3A_448 = arith.cmpi slt, %squeeze3A_445, %select_n3A_441 : i32
        %and3A_449 = arith.andi %eq3A_447, %lt3A_448 : i1
        %or3A_450 = arith.ori %gt3A_446, %and3A_449 : i1
        %select_n3A_451 = arith.select %or3A_450, %squeeze3A_443, %select_n3A_440 : f32
        %select_n3A_452 = arith.select %or3A_450, %squeeze3A_445, %select_n3A_441 : i32
        %slice3A_453 = vector.extract_strided_slice %select_n3A_340 {offsets = [11], sizes = [1], strides = [1]} : vector<16xf32> to vector<1xf32>
        %squeeze3A_454 = vector.extract %slice3A_453[0] : f32 from vector<1xf32>
        %slice3A_455 = vector.extract_strided_slice %select_n3A_341 {offsets = [11], sizes = [1], strides = [1]} : vector<16xi32> to vector<1xi32>
        %squeeze3A_456 = vector.extract %slice3A_455[0] : i32 from vector<1xi32>
        %gt3A_457 = arith.cmpf ogt, %squeeze3A_454, %select_n3A_451 : f32
        %eq3A_458 = arith.cmpf oeq, %squeeze3A_454, %select_n3A_451 : f32
        %lt3A_459 = arith.cmpi slt, %squeeze3A_456, %select_n3A_452 : i32
        %and3A_460 = arith.andi %eq3A_458, %lt3A_459 : i1
        %or3A_461 = arith.ori %gt3A_457, %and3A_460 : i1
        %select_n3A_462 = arith.select %or3A_461, %squeeze3A_454, %select_n3A_451 : f32
        %select_n3A_463 = arith.select %or3A_461, %squeeze3A_456, %select_n3A_452 : i32
        %slice3A_464 = vector.extract_strided_slice %select_n3A_340 {offsets = [12], sizes = [1], strides = [1]} : vector<16xf32> to vector<1xf32>
        %squeeze3A_465 = vector.extract %slice3A_464[0] : f32 from vector<1xf32>
        %slice3A_466 = vector.extract_strided_slice %select_n3A_341 {offsets = [12], sizes = [1], strides = [1]} : vector<16xi32> to vector<1xi32>
        %squeeze3A_467 = vector.extract %slice3A_466[0] : i32 from vector<1xi32>
        %gt3A_468 = arith.cmpf ogt, %squeeze3A_465, %select_n3A_462 : f32
        %eq3A_469 = arith.cmpf oeq, %squeeze3A_465, %select_n3A_462 : f32
        %lt3A_470 = arith.cmpi slt, %squeeze3A_467, %select_n3A_463 : i32
        %and3A_471 = arith.andi %eq3A_469, %lt3A_470 : i1
        %or3A_472 = arith.ori %gt3A_468, %and3A_471 : i1
        %select_n3A_473 = arith.select %or3A_472, %squeeze3A_465, %select_n3A_462 : f32
        %select_n3A_474 = arith.select %or3A_472, %squeeze3A_467, %select_n3A_463 : i32
        %slice3A_475 = vector.extract_strided_slice %select_n3A_340 {offsets = [13], sizes = [1], strides = [1]} : vector<16xf32> to vector<1xf32>
        %squeeze3A_476 = vector.extract %slice3A_475[0] : f32 from vector<1xf32>
        %slice3A_477 = vector.extract_strided_slice %select_n3A_341 {offsets = [13], sizes = [1], strides = [1]} : vector<16xi32> to vector<1xi32>
        %squeeze3A_478 = vector.extract %slice3A_477[0] : i32 from vector<1xi32>
        %gt3A_479 = arith.cmpf ogt, %squeeze3A_476, %select_n3A_473 : f32
        %eq3A_480 = arith.cmpf oeq, %squeeze3A_476, %select_n3A_473 : f32
        %lt3A_481 = arith.cmpi slt, %squeeze3A_478, %select_n3A_474 : i32
        %and3A_482 = arith.andi %eq3A_480, %lt3A_481 : i1
        %or3A_483 = arith.ori %gt3A_479, %and3A_482 : i1
        %select_n3A_484 = arith.select %or3A_483, %squeeze3A_476, %select_n3A_473 : f32
        %select_n3A_485 = arith.select %or3A_483, %squeeze3A_478, %select_n3A_474 : i32
        %slice3A_486 = vector.extract_strided_slice %select_n3A_340 {offsets = [14], sizes = [1], strides = [1]} : vector<16xf32> to vector<1xf32>
        %squeeze3A_487 = vector.extract %slice3A_486[0] : f32 from vector<1xf32>
        %slice3A_488 = vector.extract_strided_slice %select_n3A_341 {offsets = [14], sizes = [1], strides = [1]} : vector<16xi32> to vector<1xi32>
        %squeeze3A_489 = vector.extract %slice3A_488[0] : i32 from vector<1xi32>
        %gt3A_490 = arith.cmpf ogt, %squeeze3A_487, %select_n3A_484 : f32
        %eq3A_491 = arith.cmpf oeq, %squeeze3A_487, %select_n3A_484 : f32
        %lt3A_492 = arith.cmpi slt, %squeeze3A_489, %select_n3A_485 : i32
        %and3A_493 = arith.andi %eq3A_491, %lt3A_492 : i1
        %or3A_494 = arith.ori %gt3A_490, %and3A_493 : i1
        %select_n3A_495 = arith.select %or3A_494, %squeeze3A_487, %select_n3A_484 : f32
        %select_n3A_496 = arith.select %or3A_494, %squeeze3A_489, %select_n3A_485 : i32
        %slice3A_497 = vector.extract_strided_slice %select_n3A_340 {offsets = [15], sizes = [1], strides = [1]} : vector<16xf32> to vector<1xf32>
        %squeeze3A_498 = vector.extract %slice3A_497[0] : f32 from vector<1xf32>
        %slice3A_499 = vector.extract_strided_slice %select_n3A_341 {offsets = [15], sizes = [1], strides = [1]} : vector<16xi32> to vector<1xi32>
        %squeeze3A_500 = vector.extract %slice3A_499[0] : i32 from vector<1xi32>
        %gt3A_501 = arith.cmpf ogt, %squeeze3A_498, %select_n3A_495 : f32
        %eq3A_502 = arith.cmpf oeq, %squeeze3A_498, %select_n3A_495 : f32
        %lt3A_503 = arith.cmpi slt, %squeeze3A_500, %select_n3A_496 : i32
        %and3A_504 = arith.andi %eq3A_502, %lt3A_503 : i1
        %or3A_505 = arith.ori %gt3A_501, %and3A_504 : i1
        %select_n3A_506 = arith.select %or3A_505, %squeeze3A_498, %select_n3A_495 : f32
        %select_n3A_507 = arith.select %or3A_505, %squeeze3A_500, %select_n3A_496 : i32
        %broadcast_in_dim3A_508 = arith.constant 0 : i32
        %broadcast_in_dim3A_509 = vector.broadcast %broadcast_in_dim3A_508 : i32 to vector<16xi32>
        %add3A_510 = vector.broadcast %select_n3A_507 : i32 to vector<16xi32>
        %add3A_511 = arith.addi %broadcast_in_dim3A_509, %add3A_510 : vector<16xi32>
        %gather3A_512 = tpu.vector_load_idx %arg6[%add3A_245, %add3A_511] : memref<144x133xf32, #tpu.memory_space<vmem>>[vector<16xi32>, vector<16xi32>], vector<16xf32>,
        %broadcast_in_dim3A_513 = arith.constant 0 : i32
        %broadcast_in_dim3A_514 = vector.broadcast %broadcast_in_dim3A_513 : i32 to vector<16xi32>
        %gt3A_515 = arith.cmpf ogt, %gather3A, %gather3A_512 : vector<16xf32>
        %and3A_516 = arith.andi %gt3A_515, %lt3A_14 : vector<16xi1>
        %eq3A_517 = arith.cmpf oeq, %gather3A, %gather3A_512 : vector<16xf32>
        %lt3A_518 = vector.broadcast %select_n3A_507 : i32 to vector<16xi32>
        %lt3A_519 = arith.cmpi slt, %add3A_65, %lt3A_518 : vector<16xi32>
        %and3A_520 = arith.andi %eq3A_517, %lt3A_519 : vector<16xi1>
        %and3A_521 = arith.andi %and3A_520, %lt3A_14 : vector<16xi1>
        %convert_element_type3A_522 = arith.extui %and3A_516 : vector<16xi1> to vector<16xi32>
        %add3A_523 = arith.addi %broadcast_in_dim3A_514, %convert_element_type3A_522 : vector<16xi32>
        %convert_element_type3A_524 = arith.extui %and3A_521 : vector<16xi1> to vector<16xi32>
        %add3A_525 = arith.addi %add3A_523, %convert_element_type3A_524 : vector<16xi32>
        %gt3A_526 = arith.cmpf ogt, %gather3A_254, %gather3A_512 : vector<16xf32>
        %and3A_527 = arith.andi %gt3A_526, %lt3A_20 : vector<16xi1>
        %eq3A_528 = arith.cmpf oeq, %gather3A_254, %gather3A_512 : vector<16xf32>
        %lt3A_529 = vector.broadcast %select_n3A_507 : i32 to vector<16xi32>
        %lt3A_530 = arith.cmpi slt, %add3A_68, %lt3A_529 : vector<16xi32>
        %and3A_531 = arith.andi %eq3A_528, %lt3A_530 : vector<16xi1>
        %and3A_532 = arith.andi %and3A_531, %lt3A_20 : vector<16xi1>
        %convert_element_type3A_533 = arith.extui %and3A_527 : vector<16xi1> to vector<16xi32>
        %add3A_534 = arith.addi %add3A_525, %convert_element_type3A_533 : vector<16xi32>
        %convert_element_type3A_535 = arith.extui %and3A_532 : vector<16xi1> to vector<16xi32>
        %add3A_536 = arith.addi %add3A_534, %convert_element_type3A_535 : vector<16xi32>
        %gt3A_537 = arith.cmpf ogt, %gather3A_265, %gather3A_512 : vector<16xf32>
        %and3A_538 = arith.andi %gt3A_537, %lt3A_26 : vector<16xi1>
        %eq3A_539 = arith.cmpf oeq, %gather3A_265, %gather3A_512 : vector<16xf32>
        %lt3A_540 = vector.broadcast %select_n3A_507 : i32 to vector<16xi32>
        %lt3A_541 = arith.cmpi slt, %add3A_71, %lt3A_540 : vector<16xi32>
        %and3A_542 = arith.andi %eq3A_539, %lt3A_541 : vector<16xi1>
        %and3A_543 = arith.andi %and3A_542, %lt3A_26 : vector<16xi1>
        %convert_element_type3A_544 = arith.extui %and3A_538 : vector<16xi1> to vector<16xi32>
        %add3A_545 = arith.addi %add3A_536, %convert_element_type3A_544 : vector<16xi32>
        %convert_element_type3A_546 = arith.extui %and3A_543 : vector<16xi1> to vector<16xi32>
        %add3A_547 = arith.addi %add3A_545, %convert_element_type3A_546 : vector<16xi32>
        %gt3A_548 = arith.cmpf ogt, %gather3A_276, %gather3A_512 : vector<16xf32>
        %and3A_549 = arith.andi %gt3A_548, %lt3A_32 : vector<16xi1>
        %eq3A_550 = arith.cmpf oeq, %gather3A_276, %gather3A_512 : vector<16xf32>
        %lt3A_551 = vector.broadcast %select_n3A_507 : i32 to vector<16xi32>
        %lt3A_552 = arith.cmpi slt, %add3A_74, %lt3A_551 : vector<16xi32>
        %and3A_553 = arith.andi %eq3A_550, %lt3A_552 : vector<16xi1>
        %and3A_554 = arith.andi %and3A_553, %lt3A_32 : vector<16xi1>
        %convert_element_type3A_555 = arith.extui %and3A_549 : vector<16xi1> to vector<16xi32>
        %add3A_556 = arith.addi %add3A_547, %convert_element_type3A_555 : vector<16xi32>
        %convert_element_type3A_557 = arith.extui %and3A_554 : vector<16xi1> to vector<16xi32>
        %add3A_558 = arith.addi %add3A_556, %convert_element_type3A_557 : vector<16xi32>
        %gt3A_559 = arith.cmpf ogt, %gather3A_287, %gather3A_512 : vector<16xf32>
        %and3A_560 = arith.andi %gt3A_559, %lt3A_38 : vector<16xi1>
        %eq3A_561 = arith.cmpf oeq, %gather3A_287, %gather3A_512 : vector<16xf32>
        %lt3A_562 = vector.broadcast %select_n3A_507 : i32 to vector<16xi32>
        %lt3A_563 = arith.cmpi slt, %add3A_77, %lt3A_562 : vector<16xi32>
        %and3A_564 = arith.andi %eq3A_561, %lt3A_563 : vector<16xi1>
        %and3A_565 = arith.andi %and3A_564, %lt3A_38 : vector<16xi1>
        %convert_element_type3A_566 = arith.extui %and3A_560 : vector<16xi1> to vector<16xi32>
        %add3A_567 = arith.addi %add3A_558, %convert_element_type3A_566 : vector<16xi32>
        %convert_element_type3A_568 = arith.extui %and3A_565 : vector<16xi1> to vector<16xi32>
        %add3A_569 = arith.addi %add3A_567, %convert_element_type3A_568 : vector<16xi32>
        %gt3A_570 = arith.cmpf ogt, %gather3A_298, %gather3A_512 : vector<16xf32>
        %and3A_571 = arith.andi %gt3A_570, %lt3A_44 : vector<16xi1>
        %eq3A_572 = arith.cmpf oeq, %gather3A_298, %gather3A_512 : vector<16xf32>
        %lt3A_573 = vector.broadcast %select_n3A_507 : i32 to vector<16xi32>
        %lt3A_574 = arith.cmpi slt, %add3A_80, %lt3A_573 : vector<16xi32>
        %and3A_575 = arith.andi %eq3A_572, %lt3A_574 : vector<16xi1>
        %and3A_576 = arith.andi %and3A_575, %lt3A_44 : vector<16xi1>
        %convert_element_type3A_577 = arith.extui %and3A_571 : vector<16xi1> to vector<16xi32>
        %add3A_578 = arith.addi %add3A_569, %convert_element_type3A_577 : vector<16xi32>
        %convert_element_type3A_579 = arith.extui %and3A_576 : vector<16xi1> to vector<16xi32>
        %add3A_580 = arith.addi %add3A_578, %convert_element_type3A_579 : vector<16xi32>
        %gt3A_581 = arith.cmpf ogt, %gather3A_309, %gather3A_512 : vector<16xf32>
        %and3A_582 = arith.andi %gt3A_581, %lt3A_50 : vector<16xi1>
        %eq3A_583 = arith.cmpf oeq, %gather3A_309, %gather3A_512 : vector<16xf32>
        %lt3A_584 = vector.broadcast %select_n3A_507 : i32 to vector<16xi32>
        %lt3A_585 = arith.cmpi slt, %add3A_83, %lt3A_584 : vector<16xi32>
        %and3A_586 = arith.andi %eq3A_583, %lt3A_585 : vector<16xi1>
        %and3A_587 = arith.andi %and3A_586, %lt3A_50 : vector<16xi1>
        %convert_element_type3A_588 = arith.extui %and3A_582 : vector<16xi1> to vector<16xi32>
        %add3A_589 = arith.addi %add3A_580, %convert_element_type3A_588 : vector<16xi32>
        %convert_element_type3A_590 = arith.extui %and3A_587 : vector<16xi1> to vector<16xi32>
        %add3A_591 = arith.addi %add3A_589, %convert_element_type3A_590 : vector<16xi32>
        %gt3A_592 = arith.cmpf ogt, %gather3A_320, %gather3A_512 : vector<16xf32>
        %and3A_593 = arith.andi %gt3A_592, %lt3A_56 : vector<16xi1>
        %eq3A_594 = arith.cmpf oeq, %gather3A_320, %gather3A_512 : vector<16xf32>
        %lt3A_595 = vector.broadcast %select_n3A_507 : i32 to vector<16xi32>
        %lt3A_596 = arith.cmpi slt, %add3A_86, %lt3A_595 : vector<16xi32>
        %and3A_597 = arith.andi %eq3A_594, %lt3A_596 : vector<16xi1>
        %and3A_598 = arith.andi %and3A_597, %lt3A_56 : vector<16xi1>
        %convert_element_type3A_599 = arith.extui %and3A_593 : vector<16xi1> to vector<16xi32>
        %add3A_600 = arith.addi %add3A_591, %convert_element_type3A_599 : vector<16xi32>
        %convert_element_type3A_601 = arith.extui %and3A_598 : vector<16xi1> to vector<16xi32>
        %add3A_602 = arith.addi %add3A_600, %convert_element_type3A_601 : vector<16xi32>
        %gt3A_603 = arith.cmpf ogt, %gather3A_331, %gather3A_512 : vector<16xf32>
        %and3A_604 = arith.andi %gt3A_603, %lt3A_62 : vector<16xi1>
        %eq3A_605 = arith.cmpf oeq, %gather3A_331, %gather3A_512 : vector<16xf32>
        %lt3A_606 = vector.broadcast %select_n3A_507 : i32 to vector<16xi32>
        %lt3A_607 = arith.cmpi slt, %add3A_89, %lt3A_606 : vector<16xi32>
        %and3A_608 = arith.andi %eq3A_605, %lt3A_607 : vector<16xi1>
        %and3A_609 = arith.andi %and3A_608, %lt3A_62 : vector<16xi1>
        %convert_element_type3A_610 = arith.extui %and3A_604 : vector<16xi1> to vector<16xi32>
        %add3A_611 = arith.addi %add3A_602, %convert_element_type3A_610 : vector<16xi32>
        %convert_element_type3A_612 = arith.extui %and3A_609 : vector<16xi1> to vector<16xi32>
        %add3A_613 = arith.addi %add3A_611, %convert_element_type3A_612 : vector<16xi32>
        %slice3A_614 = vector.extract_strided_slice %add3A_613 {offsets = [0], sizes = [1], strides = [1]} : vector<16xi32> to vector<1xi32>
        %squeeze3A_615 = vector.extract %slice3A_614[0] : i32 from vector<1xi32>
        %slice3A_616 = vector.extract_strided_slice %add3A_613 {offsets = [1], sizes = [1], strides = [1]} : vector<16xi32> to vector<1xi32>
        %squeeze3A_617 = vector.extract %slice3A_616[0] : i32 from vector<1xi32>
        %add3A_618 = arith.addi %squeeze3A_615, %squeeze3A_617 : i32
        %slice3A_619 = vector.extract_strided_slice %add3A_613 {offsets = [2], sizes = [1], strides = [1]} : vector<16xi32> to vector<1xi32>
        %squeeze3A_620 = vector.extract %slice3A_619[0] : i32 from vector<1xi32>
        %add3A_621 = arith.addi %add3A_618, %squeeze3A_620 : i32
        %slice3A_622 = vector.extract_strided_slice %add3A_613 {offsets = [3], sizes = [1], strides = [1]} : vector<16xi32> to vector<1xi32>
        %squeeze3A_623 = vector.extract %slice3A_622[0] : i32 from vector<1xi32>
        %add3A_624 = arith.addi %add3A_621, %squeeze3A_623 : i32
        %slice3A_625 = vector.extract_strided_slice %add3A_613 {offsets = [4], sizes = [1], strides = [1]} : vector<16xi32> to vector<1xi32>
        %squeeze3A_626 = vector.extract %slice3A_625[0] : i32 from vector<1xi32>
        %add3A_627 = arith.addi %add3A_624, %squeeze3A_626 : i32
        %slice3A_628 = vector.extract_strided_slice %add3A_613 {offsets = [5], sizes = [1], strides = [1]} : vector<16xi32> to vector<1xi32>
        %squeeze3A_629 = vector.extract %slice3A_628[0] : i32 from vector<1xi32>
        %add3A_630 = arith.addi %add3A_627, %squeeze3A_629 : i32
        %slice3A_631 = vector.extract_strided_slice %add3A_613 {offsets = [6], sizes = [1], strides = [1]} : vector<16xi32> to vector<1xi32>
        %squeeze3A_632 = vector.extract %slice3A_631[0] : i32 from vector<1xi32>
        %add3A_633 = arith.addi %add3A_630, %squeeze3A_632 : i32
        %slice3A_634 = vector.extract_strided_slice %add3A_613 {offsets = [7], sizes = [1], strides = [1]} : vector<16xi32> to vector<1xi32>
        %squeeze3A_635 = vector.extract %slice3A_634[0] : i32 from vector<1xi32>
        %add3A_636 = arith.addi %add3A_633, %squeeze3A_635 : i32
        %slice3A_637 = vector.extract_strided_slice %add3A_613 {offsets = [8], sizes = [1], strides = [1]} : vector<16xi32> to vector<1xi32>
        %squeeze3A_638 = vector.extract %slice3A_637[0] : i32 from vector<1xi32>
        %add3A_639 = arith.addi %add3A_636, %squeeze3A_638 : i32
        %slice3A_640 = vector.extract_strided_slice %add3A_613 {offsets = [9], sizes = [1], strides = [1]} : vector<16xi32> to vector<1xi32>
        %squeeze3A_641 = vector.extract %slice3A_640[0] : i32 from vector<1xi32>
        %add3A_642 = arith.addi %add3A_639, %squeeze3A_641 : i32
        %slice3A_643 = vector.extract_strided_slice %add3A_613 {offsets = [10], sizes = [1], strides = [1]} : vector<16xi32> to vector<1xi32>
        %squeeze3A_644 = vector.extract %slice3A_643[0] : i32 from vector<1xi32>
        %add3A_645 = arith.addi %add3A_642, %squeeze3A_644 : i32
        %slice3A_646 = vector.extract_strided_slice %add3A_613 {offsets = [11], sizes = [1], strides = [1]} : vector<16xi32> to vector<1xi32>
        %squeeze3A_647 = vector.extract %slice3A_646[0] : i32 from vector<1xi32>
        %add3A_648 = arith.addi %add3A_645, %squeeze3A_647 : i32
        %slice3A_649 = vector.extract_strided_slice %add3A_613 {offsets = [12], sizes = [1], strides = [1]} : vector<16xi32> to vector<1xi32>
        %squeeze3A_650 = vector.extract %slice3A_649[0] : i32 from vector<1xi32>
        %add3A_651 = arith.addi %add3A_648, %squeeze3A_650 : i32
        %slice3A_652 = vector.extract_strided_slice %add3A_613 {offsets = [13], sizes = [1], strides = [1]} : vector<16xi32> to vector<1xi32>
        %squeeze3A_653 = vector.extract %slice3A_652[0] : i32 from vector<1xi32>
        %add3A_654 = arith.addi %add3A_651, %squeeze3A_653 : i32
        %slice3A_655 = vector.extract_strided_slice %add3A_613 {offsets = [14], sizes = [1], strides = [1]} : vector<16xi32> to vector<1xi32>
        %squeeze3A_656 = vector.extract %slice3A_655[0] : i32 from vector<1xi32>
        %add3A_657 = arith.addi %add3A_654, %squeeze3A_656 : i32
        %slice3A_658 = vector.extract_strided_slice %add3A_613 {offsets = [15], sizes = [1], strides = [1]} : vector<16xi32> to vector<1xi32>
        %squeeze3A_659 = vector.extract %slice3A_658[0] : i32 from vector<1xi32>
        %add3A_660 = arith.addi %add3A_657, %squeeze3A_659 : i32
        %le3A = arith.cmpi sle, %add3A_660, %scan3A_241 : i32
        %jit3A = arith.constant 0 : i32
        %select_n3A_661 = arith.select %le3A, %select_n3A_507, %jit3A : i32
        %broadcast_in_dim3A_662 = vector.broadcast %select_n3A_661 : i32 to vector<16xi32>
        tpu.vector_store_idx %arg7[%add3A_245], %broadcast_in_dim3A_662 masked %eq3A_9 : memref<160xi32, #tpu.memory_space<vmem>>[vector<16xi32>], vector<16xi32>, vector<16xi1>
        %broadcast_in_dim3A_663 = arith.constant 0 : i32
        %broadcast_in_dim3A_664 = vector.broadcast %broadcast_in_dim3A_663 : i32 to vector<16xi32>
        %add3A_665 = vector.broadcast %select_n3A_507 : i32 to vector<16xi32>
        %add3A_666 = arith.addi %broadcast_in_dim3A_664, %add3A_665 : vector<16xi32>
        %and3A_667 = vector.broadcast %le3A : i1 to vector<16xi1>
        %and3A_668 = arith.andi %eq3A_9, %and3A_667 : vector<16xi1>
        tpu.vector_store_idx %arg8[%add3A_666], %broadcast_in_dim3A_3 masked %and3A_668 : memref<144xf32, #tpu.memory_space<vmem>>[vector<16xi32>], vector<16xf32>, vector<16xi1>
      }
      %scan3A_240 = arith.constant 133 : i32
    } else {
    }
    %scan3A_170 = arith.constant 0 : i32
    %scan3A_171 = arith.constant 0 : i32
    %scan3A_172 = arith.constant 64 : i32
    %scan3A_173 = arith.addi %scan3A_171, %scan3A_172 : i32
    %scan3A_174 = arith.constant 1 : i32
    scf.for %scan3A_205 = %scan3A_171 to %scan3A_173 step %scan3A_174  : i32 {
      %mul3A_206 = arith.constant 2 : i32
      %mul3A_207 = arith.muli %mul3A_206, %scan3A_205 : i32
      %add3A_208 = arith.constant 0 : i32
      %add3A_209 = arith.addi %mul3A_207, %add3A_208 : i32
      %mul3A_210 = arith.constant 64 : i32
      %mul3A_211 = arith.muli %add3A_209, %mul3A_210 : i32
      %add3A_212 = arith.addi %mul3A_2, %mul3A_211 : i32
      %dma_wait3A_213 = arith.constant 0 : i32
      %dma_wait3A_214 = arith.constant 0 : i32
      %dma_wait3A_215 = arith.constant 0 : i32
      %dma_wait3A_216 = tpu.memref_slice %arg4[%dma_wait3A_213, %dma_wait3A_214, %dma_wait3A_215] : memref<2x64x133xf32, #tpu.memory_space<vmem>> -> memref<1x64x133xf32, #tpu.memory_space<vmem>>
      %dma_wait3A_217 = tpu.memref_squeeze %dma_wait3A_216 : memref<1x64x133xf32, #tpu.memory_space<vmem>> -> memref<64x133xf32, #tpu.memory_space<vmem>>
      %dma_wait3A_218 = arith.constant 0 : i32
      %dma_wait3A_219 = tpu.memref_slice %arg2[%add3A_212, %dma_wait3A_218] : memref<262144x133xf32, #tpu.memory_space<hbm>> -> memref<64x133xf32, #tpu.memory_space<hbm>>
      %dma_wait3A_220 = arith.constant 0 : i32
      %dma_wait3A_221 = arith.constant 0 : i32
      %dma_wait3A_222 = tpu.memref_slice %arg4[%dma_wait3A_213, %dma_wait3A_220, %dma_wait3A_221] : memref<2x64x133xf32, #tpu.memory_space<vmem>> -> memref<1x64x133xf32, #tpu.memory_space<vmem>>
      %dma_wait3A_223 = tpu.memref_squeeze %dma_wait3A_222 : memref<1x64x133xf32, #tpu.memory_space<vmem>> -> memref<64x133xf32, #tpu.memory_space<vmem>>
      %dma_wait3A_224 = arith.constant 0 : i32
      %dma_wait3A_225 = tpu.memref_slice %arg2[%add3A_212, %dma_wait3A_224] : memref<262144x133xf32, #tpu.memory_space<hbm>> -> memref<64x133xf32, #tpu.memory_space<hbm>>
      tpu.wait_dma2 semaphore(%arg10 : memref<!tpu.dma_semaphore, #tpu.memory_space<semaphore_mem>>) src(%dma_wait3A_225 : memref<64x133xf32, #tpu.memory_space<hbm>>) dst(%dma_wait3A_223 : memref<64x133xf32, #tpu.memory_space<vmem>>)
      %ge3A = arith.constant 1 : i32
      %ge3A_226 = arith.cmpi sge, %scan3A_205, %ge3A : i32
      %convert_element_type3A_227 = arith.extui %ge3A_226 : i1 to i32
      %cond3A_228 = arith.constant 0 : i32
      %cond3A_229 = arith.cmpi ne, %convert_element_type3A_227, %cond3A_228 : i32
      scf.if %cond3A_229 {
        %sub3A = arith.constant 2 : i32
        %sub3A_386 = arith.subi %add3A_209, %sub3A : i32
        %mul3A_387 = arith.constant 64 : i32
        %mul3A_388 = arith.muli %sub3A_386, %mul3A_387 : i32
        %add3A_389 = arith.addi %mul3A_2, %mul3A_388 : i32
        %dma_wait3A_390 = arith.constant 0 : i32
        %dma_wait3A_391 = arith.constant 0 : i32
        %dma_wait3A_392 = arith.constant 0 : i32
        %dma_wait3A_393 = tpu.memref_slice %arg5[%dma_wait3A_390, %dma_wait3A_391, %dma_wait3A_392] : memref<2x64x133xf32, #tpu.memory_space<vmem>> -> memref<1x64x133xf32, #tpu.memory_space<vmem>>
        %dma_wait3A_394 = tpu.memref_squeeze %dma_wait3A_393 : memref<1x64x133xf32, #tpu.memory_space<vmem>> -> memref<64x133xf32, #tpu.memory_space<vmem>>
        %dma_wait3A_395 = arith.constant 0 : i32
        %dma_wait3A_396 = tpu.memref_slice %arg3[%add3A_389, %dma_wait3A_395] : memref<262144x133xf32, #tpu.memory_space<hbm>> -> memref<64x133xf32, #tpu.memory_space<hbm>>
        %dma_wait3A_397 = arith.constant 0 : i32
        %dma_wait3A_398 = tpu.memref_slice %arg3[%add3A_389, %dma_wait3A_397] : memref<262144x133xf32, #tpu.memory_space<hbm>> -> memref<64x133xf32, #tpu.memory_space<hbm>>
        %dma_wait3A_399 = arith.constant 0 : i32
        %dma_wait3A_400 = arith.constant 0 : i32
        %dma_wait3A_401 = tpu.memref_slice %arg5[%dma_wait3A_390, %dma_wait3A_399, %dma_wait3A_400] : memref<2x64x133xf32, #tpu.memory_space<vmem>> -> memref<1x64x133xf32, #tpu.memory_space<vmem>>
        %dma_wait3A_402 = tpu.memref_squeeze %dma_wait3A_401 : memref<1x64x133xf32, #tpu.memory_space<vmem>> -> memref<64x133xf32, #tpu.memory_space<vmem>>
        tpu.wait_dma2 semaphore(%arg12 : memref<!tpu.dma_semaphore, #tpu.memory_space<semaphore_mem>>) src(%dma_wait3A_402 : memref<64x133xf32, #tpu.memory_space<vmem>>) dst(%dma_wait3A_398 : memref<64x133xf32, #tpu.memory_space<hbm>>)
      } else {
      }
      %add3A_230 = arith.constant 0 : i32
      %add3A_231 = vector.broadcast %add3A_230 : i32 to vector<16xi32>
      %add3A_232 = arith.addi %add3A_231, %iota3A : vector<16xi32>
      %get3A = arith.constant 0 : index
      %get3A_233 = tpu.vector_load %arg9[%get3A] {strides = array<i32>} : memref<128xi32, #tpu.memory_space<vmem>>, vector<16xi32>,
      %scatter3A = arith.constant 0 : i32
      %scatter3A_234 = arith.constant 0 : i32
      %scatter3A_235 = arith.constant 0 : i32
      %scatter3A_236 = tpu.memref_slice %arg5[%scatter3A, %scatter3A_234, %scatter3A_235] : memref<2x64x133xf32, #tpu.memory_space<vmem>> -> memref<1x64x133xf32, #tpu.memory_space<vmem>>
      %scatter3A_237 = tpu.memref_squeeze %scatter3A_236 : memref<1x64x133xf32, #tpu.memory_space<vmem>> -> memref<64x133xf32, #tpu.memory_space<vmem>>
      tpu.vector_store_idx %scatter3A_237[%add3A_232, %get3A_233], %broadcast_in_dim3A_3 : memref<64x133xf32, #tpu.memory_space<vmem>>[vector<16xi32>, vector<16xi32>], vector<16xf32>,
      %add3A_238 = arith.constant 16 : i32
      %add3A_239 = vector.broadcast %add3A_238 : i32 to vector<16xi32>
      %add3A_240 = arith.addi %add3A_239, %iota3A : vector<16xi32>
      %get3A_241 = arith.constant 16 : index
      %get3A_242 = tpu.vector_load %arg9[%get3A_241] {strides = array<i32>} : memref<128xi32, #tpu.memory_space<vmem>>, vector<16xi32>,
      %scatter3A_243 = arith.constant 0 : i32
      %scatter3A_244 = arith.constant 0 : i32
      %scatter3A_245 = arith.constant 0 : i32
      %scatter3A_246 = tpu.memref_slice %arg5[%scatter3A_243, %scatter3A_244, %scatter3A_245] : memref<2x64x133xf32, #tpu.memory_space<vmem>> -> memref<1x64x133xf32, #tpu.memory_space<vmem>>
      %scatter3A_247 = tpu.memref_squeeze %scatter3A_246 : memref<1x64x133xf32, #tpu.memory_space<vmem>> -> memref<64x133xf32, #tpu.memory_space<vmem>>
      tpu.vector_store_idx %scatter3A_247[%add3A_240, %get3A_242], %broadcast_in_dim3A_3 : memref<64x133xf32, #tpu.memory_space<vmem>>[vector<16xi32>, vector<16xi32>], vector<16xf32>,
      %add3A_248 = arith.constant 32 : i32
      %add3A_249 = vector.broadcast %add3A_248 : i32 to vector<16xi32>
      %add3A_250 = arith.addi %add3A_249, %iota3A : vector<16xi32>
      %get3A_251 = arith.constant 32 : index
      %get3A_252 = tpu.vector_load %arg9[%get3A_251] {strides = array<i32>} : memref<128xi32, #tpu.memory_space<vmem>>, vector<16xi32>,
      %scatter3A_253 = arith.constant 0 : i32
      %scatter3A_254 = arith.constant 0 : i32
      %scatter3A_255 = arith.constant 0 : i32
      %scatter3A_256 = tpu.memref_slice %arg5[%scatter3A_253, %scatter3A_254, %scatter3A_255] : memref<2x64x133xf32, #tpu.memory_space<vmem>> -> memref<1x64x133xf32, #tpu.memory_space<vmem>>
      %scatter3A_257 = tpu.memref_squeeze %scatter3A_256 : memref<1x64x133xf32, #tpu.memory_space<vmem>> -> memref<64x133xf32, #tpu.memory_space<vmem>>
      tpu.vector_store_idx %scatter3A_257[%add3A_250, %get3A_252], %broadcast_in_dim3A_3 : memref<64x133xf32, #tpu.memory_space<vmem>>[vector<16xi32>, vector<16xi32>], vector<16xf32>,
      %add3A_258 = arith.constant 48 : i32
      %add3A_259 = vector.broadcast %add3A_258 : i32 to vector<16xi32>
      %add3A_260 = arith.addi %add3A_259, %iota3A : vector<16xi32>
      %get3A_261 = arith.constant 48 : index
      %get3A_262 = tpu.vector_load %arg9[%get3A_261] {strides = array<i32>} : memref<128xi32, #tpu.memory_space<vmem>>, vector<16xi32>,
      %scatter3A_263 = arith.constant 0 : i32
      %scatter3A_264 = arith.constant 0 : i32
      %scatter3A_265 = arith.constant 0 : i32
      %scatter3A_266 = tpu.memref_slice %arg5[%scatter3A_263, %scatter3A_264, %scatter3A_265] : memref<2x64x133xf32, #tpu.memory_space<vmem>> -> memref<1x64x133xf32, #tpu.memory_space<vmem>>
      %scatter3A_267 = tpu.memref_squeeze %scatter3A_266 : memref<1x64x133xf32, #tpu.memory_space<vmem>> -> memref<64x133xf32, #tpu.memory_space<vmem>>
      tpu.vector_store_idx %scatter3A_267[%add3A_260, %get3A_262], %broadcast_in_dim3A_3 : memref<64x133xf32, #tpu.memory_space<vmem>>[vector<16xi32>, vector<16xi32>], vector<16xf32>,
      %scan3A_268 = arith.constant 0 : i32
      %scan3A_269 = arith.constant 0 : i32
      %scan3A_270 = arith.constant 4 : i32
      %scan3A_271 = arith.addi %scan3A_269, %scan3A_270 : i32
      %scan3A_272 = arith.constant 1 : i32
      scf.for %scan3A_386 = %scan3A_269 to %scan3A_271 step %scan3A_272  : i32 {
        %mul3A_387 = arith.constant 16 : i32
        %mul3A_388 = arith.muli %scan3A_386, %mul3A_387 : i32
        %add3A_389 = vector.broadcast %mul3A_388 : i32 to vector<16xi32>
        %add3A_390 = arith.addi %add3A_389, %iota3A : vector<16xi32>
        %broadcast_in_dim3A_391 = arith.constant 0 : i32
        %broadcast_in_dim3A_392 = vector.broadcast %broadcast_in_dim3A_391 : i32 to vector<16xi32>
        %mul3A_393 = arith.constant 64 : i32
        %mul3A_394 = arith.muli %add3A_209, %mul3A_393 : i32
        %add3A_395 = arith.addi %mul3A_2, %mul3A_394 : i32
        %mul3A_396 = arith.constant 16 : i32
        %mul3A_397 = arith.muli %scan3A_386, %mul3A_396 : i32
        %add3A_398 = arith.addi %add3A_395, %mul3A_397 : i32
        %min3A = arith.constant 144 : i32
        %min3A_399 = arith.minsi %add3A_398, %min3A : i32
        %get3A_400 = arith.index_cast %min3A_399 : i32 to index
        %get3A_401 = tpu.vector_load %arg7[%get3A_400] {strides = array<i32>} : memref<160xi32, #tpu.memory_space<vmem>>, vector<16xi32>,
        %add3A_402 = vector.broadcast %add3A_398 : i32 to vector<16xi32>
        %add3A_403 = arith.addi %add3A_402, %iota3A : vector<16xi32>
        %lt3A_404 = arith.constant 133 : i32
        %lt3A_405 = vector.broadcast %lt3A_404 : i32 to vector<16xi32>
        %lt3A_406 = arith.cmpi slt, %add3A_403, %lt3A_405 : vector<16xi32>
        %select_n3A = arith.select %lt3A_406, %get3A_401, %broadcast_in_dim3A_392 : vector<16xi1>, vector<16xi32>
        %scatter3A_407 = arith.constant 0 : i32
        %scatter3A_408 = arith.constant 0 : i32
        %scatter3A_409 = arith.constant 0 : i32
        %scatter3A_410 = tpu.memref_slice %arg5[%scatter3A_407, %scatter3A_408, %scatter3A_409] : memref<2x64x133xf32, #tpu.memory_space<vmem>> -> memref<1x64x133xf32, #tpu.memory_space<vmem>>
        %scatter3A_411 = tpu.memref_squeeze %scatter3A_410 : memref<1x64x133xf32, #tpu.memory_space<vmem>> -> memref<64x133xf32, #tpu.memory_space<vmem>>
        tpu.vector_store_idx %scatter3A_411[%add3A_390, %select_n3A], %broadcast_in_dim3A_5 : memref<64x133xf32, #tpu.memory_space<vmem>>[vector<16xi32>, vector<16xi32>], vector<16xf32>,
        %mul3A_412 = arith.constant 16 : i32
        %mul3A_413 = arith.muli %scan3A_386, %mul3A_412 : i32
        %add3A_414 = arith.constant 0 : i32
        %add3A_415 = arith.addi %add3A_414, %mul3A_413 : i32
        %swap3A_416 = arith.index_cast %add3A_415 : i32 to index
        %swap3A_417 = tpu.vector_load %arg9[%swap3A_416] {strides = array<i32>} : memref<128xi32, #tpu.memory_space<vmem>>, vector<16xi32>,
        tpu.vector_store %arg9[%swap3A_416], %select_n3A {strides = array<i32>} : memref<128xi32, #tpu.memory_space<vmem>>, vector<16xi32>,
      }
      %scan3A_273 = arith.constant 4 : i32
      %mul3A_274 = arith.constant 64 : i32
      %mul3A_275 = arith.muli %add3A_209, %mul3A_274 : i32
      %add3A_276 = arith.addi %mul3A_2, %mul3A_275 : i32
      %dma_start3A_277 = arith.constant 0 : i32
      %dma_start3A_278 = arith.constant 0 : i32
      %dma_start3A_279 = arith.constant 0 : i32
      %dma_start3A_280 = tpu.memref_slice %arg5[%dma_start3A_277, %dma_start3A_278, %dma_start3A_279] : memref<2x64x133xf32, #tpu.memory_space<vmem>> -> memref<1x64x133xf32, #tpu.memory_space<vmem>>
      %dma_start3A_281 = tpu.memref_squeeze %dma_start3A_280 : memref<1x64x133xf32, #tpu.memory_space<vmem>> -> memref<64x133xf32, #tpu.memory_space<vmem>>
      %dma_start3A_282 = arith.constant 0 : i32
      %dma_start3A_283 = tpu.memref_slice %arg3[%add3A_276, %dma_start3A_282] : memref<262144x133xf32, #tpu.memory_space<hbm>> -> memref<64x133xf32, #tpu.memory_space<hbm>>
      %dma_start3A_284 = arith.constant 0 : i32
      %dma_start3A_285 = tpu.memref_slice %arg3[%add3A_276, %dma_start3A_284] : memref<262144x133xf32, #tpu.memory_space<hbm>> -> memref<64x133xf32, #tpu.memory_space<hbm>>
      %dma_start3A_286 = arith.constant 0 : i32
      %dma_start3A_287 = arith.constant 0 : i32
      %dma_start3A_288 = tpu.memref_slice %arg5[%dma_start3A_277, %dma_start3A_286, %dma_start3A_287] : memref<2x64x133xf32, #tpu.memory_space<vmem>> -> memref<1x64x133xf32, #tpu.memory_space<vmem>>
      %dma_start3A_289 = tpu.memref_squeeze %dma_start3A_288 : memref<1x64x133xf32, #tpu.memory_space<vmem>> -> memref<64x133xf32, #tpu.memory_space<vmem>>
      tpu.enqueue_dma source(%dma_start3A_289 : memref<64x133xf32, #tpu.memory_space<vmem>>) target(%dma_start3A_285 : memref<64x133xf32, #tpu.memory_space<hbm>>) target_semaphore(%arg12 : memref<!tpu.dma_semaphore, #tpu.memory_space<semaphore_mem>>)
      %le3A = arith.constant 62 : i32
      %le3A_290 = arith.cmpi sle, %scan3A_205, %le3A : i32
      %convert_element_type3A_291 = arith.extui %le3A_290 : i1 to i32
      %cond3A_292 = arith.constant 0 : i32
      %cond3A_293 = arith.cmpi ne, %convert_element_type3A_291, %cond3A_292 : i32
      scf.if %cond3A_293 {
        %add3A_386 = arith.constant 2 : i32
        %add3A_387 = arith.addi %add3A_209, %add3A_386 : i32
        %mul3A_388 = arith.constant 64 : i32
        %mul3A_389 = arith.muli %add3A_387, %mul3A_388 : i32
        %add3A_390 = arith.addi %mul3A_2, %mul3A_389 : i32
        %dma_start3A_391 = arith.constant 0 : i32
        %dma_start3A_392 = arith.constant 0 : i32
        %dma_start3A_393 = arith.constant 0 : i32
        %dma_start3A_394 = tpu.memref_slice %arg4[%dma_start3A_391, %dma_start3A_392, %dma_start3A_393] : memref<2x64x133xf32, #tpu.memory_space<vmem>> -> memref<1x64x133xf32, #tpu.memory_space<vmem>>
        %dma_start3A_395 = tpu.memref_squeeze %dma_start3A_394 : memref<1x64x133xf32, #tpu.memory_space<vmem>> -> memref<64x133xf32, #tpu.memory_space<vmem>>
        %dma_start3A_396 = arith.constant 0 : i32
        %dma_start3A_397 = tpu.memref_slice %arg2[%add3A_390, %dma_start3A_396] : memref<262144x133xf32, #tpu.memory_space<hbm>> -> memref<64x133xf32, #tpu.memory_space<hbm>>
        %dma_start3A_398 = arith.constant 0 : i32
        %dma_start3A_399 = arith.constant 0 : i32
        %dma_start3A_400 = tpu.memref_slice %arg4[%dma_start3A_391, %dma_start3A_398, %dma_start3A_399] : memref<2x64x133xf32, #tpu.memory_space<vmem>> -> memref<1x64x133xf32, #tpu.memory_space<vmem>>
        %dma_start3A_401 = tpu.memref_squeeze %dma_start3A_400 : memref<1x64x133xf32, #tpu.memory_space<vmem>> -> memref<64x133xf32, #tpu.memory_space<vmem>>
        %dma_start3A_402 = arith.constant 0 : i32
        %dma_start3A_403 = tpu.memref_slice %arg2[%add3A_390, %dma_start3A_402] : memref<262144x133xf32, #tpu.memory_space<hbm>> -> memref<64x133xf32, #tpu.memory_space<hbm>>
        tpu.enqueue_dma source(%dma_start3A_403 : memref<64x133xf32, #tpu.memory_space<hbm>>) target(%dma_start3A_401 : memref<64x133xf32, #tpu.memory_space<vmem>>) target_semaphore(%arg10 : memref<!tpu.dma_semaphore, #tpu.memory_space<semaphore_mem>>)
      } else {
      }
      %mul3A_294 = arith.constant 2 : i32
      %mul3A_295 = arith.muli %mul3A_294, %scan3A_205 : i32
      %add3A_296 = arith.constant 1 : i32
      %add3A_297 = arith.addi %mul3A_295, %add3A_296 : i32
      %mul3A_298 = arith.constant 64 : i32
      %mul3A_299 = arith.muli %add3A_297, %mul3A_298 : i32
      %add3A_300 = arith.addi %mul3A_2, %mul3A_299 : i32
      %dma_wait3A_301 = arith.constant 1 : i32
      %dma_wait3A_302 = arith.constant 0 : i32
      %dma_wait3A_303 = arith.constant 0 : i32
      %dma_wait3A_304 = tpu.memref_slice %arg4[%dma_wait3A_301, %dma_wait3A_302, %dma_wait3A_303] : memref<2x64x133xf32, #tpu.memory_space<vmem>> -> memref<1x64x133xf32, #tpu.memory_space<vmem>>
      %dma_wait3A_305 = tpu.memref_squeeze %dma_wait3A_304 : memref<1x64x133xf32, #tpu.memory_space<vmem>> -> memref<64x133xf32, #tpu.memory_space<vmem>>
      %dma_wait3A_306 = arith.constant 0 : i32
      %dma_wait3A_307 = tpu.memref_slice %arg2[%add3A_300, %dma_wait3A_306] : memref<262144x133xf32, #tpu.memory_space<hbm>> -> memref<64x133xf32, #tpu.memory_space<hbm>>
      %dma_wait3A_308 = arith.constant 0 : i32
      %dma_wait3A_309 = arith.constant 0 : i32
      %dma_wait3A_310 = tpu.memref_slice %arg4[%dma_wait3A_301, %dma_wait3A_308, %dma_wait3A_309] : memref<2x64x133xf32, #tpu.memory_space<vmem>> -> memref<1x64x133xf32, #tpu.memory_space<vmem>>
      %dma_wait3A_311 = tpu.memref_squeeze %dma_wait3A_310 : memref<1x64x133xf32, #tpu.memory_space<vmem>> -> memref<64x133xf32, #tpu.memory_space<vmem>>
      %dma_wait3A_312 = arith.constant 0 : i32
      %dma_wait3A_313 = tpu.memref_slice %arg2[%add3A_300, %dma_wait3A_312] : memref<262144x133xf32, #tpu.memory_space<hbm>> -> memref<64x133xf32, #tpu.memory_space<hbm>>
      tpu.wait_dma2 semaphore(%arg11 : memref<!tpu.dma_semaphore, #tpu.memory_space<semaphore_mem>>) src(%dma_wait3A_313 : memref<64x133xf32, #tpu.memory_space<hbm>>) dst(%dma_wait3A_311 : memref<64x133xf32, #tpu.memory_space<vmem>>)
      %ge3A_314 = arith.constant 1 : i32
      %ge3A_315 = arith.cmpi sge, %scan3A_205, %ge3A_314 : i32
      %convert_element_type3A_316 = arith.extui %ge3A_315 : i1 to i32
      %cond3A_317 = arith.constant 0 : i32
      %cond3A_318 = arith.cmpi ne, %convert_element_type3A_316, %cond3A_317 : i32
      scf.if %cond3A_318 {
        %sub3A = arith.constant 2 : i32
        %sub3A_386 = arith.subi %add3A_297, %sub3A : i32
        %mul3A_387 = arith.constant 64 : i32
        %mul3A_388 = arith.muli %sub3A_386, %mul3A_387 : i32
        %add3A_389 = arith.addi %mul3A_2, %mul3A_388 : i32
        %dma_wait3A_390 = arith.constant 1 : i32
        %dma_wait3A_391 = arith.constant 0 : i32
        %dma_wait3A_392 = arith.constant 0 : i32
        %dma_wait3A_393 = tpu.memref_slice %arg5[%dma_wait3A_390, %dma_wait3A_391, %dma_wait3A_392] : memref<2x64x133xf32, #tpu.memory_space<vmem>> -> memref<1x64x133xf32, #tpu.memory_space<vmem>>
        %dma_wait3A_394 = tpu.memref_squeeze %dma_wait3A_393 : memref<1x64x133xf32, #tpu.memory_space<vmem>> -> memref<64x133xf32, #tpu.memory_space<vmem>>
        %dma_wait3A_395 = arith.constant 0 : i32
        %dma_wait3A_396 = tpu.memref_slice %arg3[%add3A_389, %dma_wait3A_395] : memref<262144x133xf32, #tpu.memory_space<hbm>> -> memref<64x133xf32, #tpu.memory_space<hbm>>
        %dma_wait3A_397 = arith.constant 0 : i32
        %dma_wait3A_398 = tpu.memref_slice %arg3[%add3A_389, %dma_wait3A_397] : memref<262144x133xf32, #tpu.memory_space<hbm>> -> memref<64x133xf32, #tpu.memory_space<hbm>>
        %dma_wait3A_399 = arith.constant 0 : i32
        %dma_wait3A_400 = arith.constant 0 : i32
        %dma_wait3A_401 = tpu.memref_slice %arg5[%dma_wait3A_390, %dma_wait3A_399, %dma_wait3A_400] : memref<2x64x133xf32, #tpu.memory_space<vmem>> -> memref<1x64x133xf32, #tpu.memory_space<vmem>>
        %dma_wait3A_402 = tpu.memref_squeeze %dma_wait3A_401 : memref<1x64x133xf32, #tpu.memory_space<vmem>> -> memref<64x133xf32, #tpu.memory_space<vmem>>
        tpu.wait_dma2 semaphore(%arg13 : memref<!tpu.dma_semaphore, #tpu.memory_space<semaphore_mem>>) src(%dma_wait3A_402 : memref<64x133xf32, #tpu.memory_space<vmem>>) dst(%dma_wait3A_398 : memref<64x133xf32, #tpu.memory_space<hbm>>)
      } else {
      }
      %add3A_319 = arith.constant 0 : i32
      %add3A_320 = vector.broadcast %add3A_319 : i32 to vector<16xi32>
      %add3A_321 = arith.addi %add3A_320, %iota3A : vector<16xi32>
      %get3A_322 = arith.constant 64 : index
      %get3A_323 = tpu.vector_load %arg9[%get3A_322] {strides = array<i32>} : memref<128xi32, #tpu.memory_space<vmem>>, vector<16xi32>,
      %scatter3A_324 = arith.constant 1 : i32
      %scatter3A_325 = arith.constant 0 : i32
      %scatter3A_326 = arith.constant 0 : i32
      %scatter3A_327 = tpu.memref_slice %arg5[%scatter3A_324, %scatter3A_325, %scatter3A_326] : memref<2x64x133xf32, #tpu.memory_space<vmem>> -> memref<1x64x133xf32, #tpu.memory_space<vmem>>
      %scatter3A_328 = tpu.memref_squeeze %scatter3A_327 : memref<1x64x133xf32, #tpu.memory_space<vmem>> -> memref<64x133xf32, #tpu.memory_space<vmem>>
      tpu.vector_store_idx %scatter3A_328[%add3A_321, %get3A_323], %broadcast_in_dim3A_3 : memref<64x133xf32, #tpu.memory_space<vmem>>[vector<16xi32>, vector<16xi32>], vector<16xf32>,
      %add3A_329 = arith.constant 16 : i32
      %add3A_330 = vector.broadcast %add3A_329 : i32 to vector<16xi32>
      %add3A_331 = arith.addi %add3A_330, %iota3A : vector<16xi32>
      %get3A_332 = arith.constant 80 : index
      %get3A_333 = tpu.vector_load %arg9[%get3A_332] {strides = array<i32>} : memref<128xi32, #tpu.memory_space<vmem>>, vector<16xi32>,
      %scatter3A_334 = arith.constant 1 : i32
      %scatter3A_335 = arith.constant 0 : i32
      %scatter3A_336 = arith.constant 0 : i32
      %scatter3A_337 = tpu.memref_slice %arg5[%scatter3A_334, %scatter3A_335, %scatter3A_336] : memref<2x64x133xf32, #tpu.memory_space<vmem>> -> memref<1x64x133xf32, #tpu.memory_space<vmem>>
      %scatter3A_338 = tpu.memref_squeeze %scatter3A_337 : memref<1x64x133xf32, #tpu.memory_space<vmem>> -> memref<64x133xf32, #tpu.memory_space<vmem>>
      tpu.vector_store_idx %scatter3A_338[%add3A_331, %get3A_333], %broadcast_in_dim3A_3 : memref<64x133xf32, #tpu.memory_space<vmem>>[vector<16xi32>, vector<16xi32>], vector<16xf32>,
      %add3A_339 = arith.constant 32 : i32
      %add3A_340 = vector.broadcast %add3A_339 : i32 to vector<16xi32>
      %add3A_341 = arith.addi %add3A_340, %iota3A : vector<16xi32>
      %get3A_342 = arith.constant 96 : index
      %get3A_343 = tpu.vector_load %arg9[%get3A_342] {strides = array<i32>} : memref<128xi32, #tpu.memory_space<vmem>>, vector<16xi32>,
      %scatter3A_344 = arith.constant 1 : i32
      %scatter3A_345 = arith.constant 0 : i32
      %scatter3A_346 = arith.constant 0 : i32
      %scatter3A_347 = tpu.memref_slice %arg5[%scatter3A_344, %scatter3A_345, %scatter3A_346] : memref<2x64x133xf32, #tpu.memory_space<vmem>> -> memref<1x64x133xf32, #tpu.memory_space<vmem>>
      %scatter3A_348 = tpu.memref_squeeze %scatter3A_347 : memref<1x64x133xf32, #tpu.memory_space<vmem>> -> memref<64x133xf32, #tpu.memory_space<vmem>>
      tpu.vector_store_idx %scatter3A_348[%add3A_341, %get3A_343], %broadcast_in_dim3A_3 : memref<64x133xf32, #tpu.memory_space<vmem>>[vector<16xi32>, vector<16xi32>], vector<16xf32>,
      %add3A_349 = arith.constant 48 : i32
      %add3A_350 = vector.broadcast %add3A_349 : i32 to vector<16xi32>
      %add3A_351 = arith.addi %add3A_350, %iota3A : vector<16xi32>
      %get3A_352 = arith.constant 112 : index
      %get3A_353 = tpu.vector_load %arg9[%get3A_352] {strides = array<i32>} : memref<128xi32, #tpu.memory_space<vmem>>, vector<16xi32>,
      %scatter3A_354 = arith.constant 1 : i32
      %scatter3A_355 = arith.constant 0 : i32
      %scatter3A_356 = arith.constant 0 : i32
      %scatter3A_357 = tpu.memref_slice %arg5[%scatter3A_354, %scatter3A_355, %scatter3A_356] : memref<2x64x133xf32, #tpu.memory_space<vmem>> -> memref<1x64x133xf32, #tpu.memory_space<vmem>>
      %scatter3A_358 = tpu.memref_squeeze %scatter3A_357 : memref<1x64x133xf32, #tpu.memory_space<vmem>> -> memref<64x133xf32, #tpu.memory_space<vmem>>
      tpu.vector_store_idx %scatter3A_358[%add3A_351, %get3A_353], %broadcast_in_dim3A_3 : memref<64x133xf32, #tpu.memory_space<vmem>>[vector<16xi32>, vector<16xi32>], vector<16xf32>,
      %scan3A_359 = arith.constant 0 : i32
      %scan3A_360 = arith.constant 0 : i32
      %scan3A_361 = arith.constant 4 : i32
      %scan3A_362 = arith.addi %scan3A_360, %scan3A_361 : i32
      %scan3A_363 = arith.constant 1 : i32
      scf.for %scan3A_386 = %scan3A_360 to %scan3A_362 step %scan3A_363  : i32 {
        %mul3A_387 = arith.constant 16 : i32
        %mul3A_388 = arith.muli %scan3A_386, %mul3A_387 : i32
        %add3A_389 = vector.broadcast %mul3A_388 : i32 to vector<16xi32>
        %add3A_390 = arith.addi %add3A_389, %iota3A : vector<16xi32>
        %broadcast_in_dim3A_391 = arith.constant 0 : i32
        %broadcast_in_dim3A_392 = vector.broadcast %broadcast_in_dim3A_391 : i32 to vector<16xi32>
        %mul3A_393 = arith.constant 64 : i32
        %mul3A_394 = arith.muli %add3A_297, %mul3A_393 : i32
        %add3A_395 = arith.addi %mul3A_2, %mul3A_394 : i32
        %mul3A_396 = arith.constant 16 : i32
        %mul3A_397 = arith.muli %scan3A_386, %mul3A_396 : i32
        %add3A_398 = arith.addi %add3A_395, %mul3A_397 : i32
        %min3A = arith.constant 144 : i32
        %min3A_399 = arith.minsi %add3A_398, %min3A : i32
        %get3A_400 = arith.index_cast %min3A_399 : i32 to index
        %get3A_401 = tpu.vector_load %arg7[%get3A_400] {strides = array<i32>} : memref<160xi32, #tpu.memory_space<vmem>>, vector<16xi32>,
        %add3A_402 = vector.broadcast %add3A_398 : i32 to vector<16xi32>
        %add3A_403 = arith.addi %add3A_402, %iota3A : vector<16xi32>
        %lt3A_404 = arith.constant 133 : i32
        %lt3A_405 = vector.broadcast %lt3A_404 : i32 to vector<16xi32>
        %lt3A_406 = arith.cmpi slt, %add3A_403, %lt3A_405 : vector<16xi32>
        %select_n3A = arith.select %lt3A_406, %get3A_401, %broadcast_in_dim3A_392 : vector<16xi1>, vector<16xi32>
        %scatter3A_407 = arith.constant 1 : i32
        %scatter3A_408 = arith.constant 0 : i32
        %scatter3A_409 = arith.constant 0 : i32
        %scatter3A_410 = tpu.memref_slice %arg5[%scatter3A_407, %scatter3A_408, %scatter3A_409] : memref<2x64x133xf32, #tpu.memory_space<vmem>> -> memref<1x64x133xf32, #tpu.memory_space<vmem>>
        %scatter3A_411 = tpu.memref_squeeze %scatter3A_410 : memref<1x64x133xf32, #tpu.memory_space<vmem>> -> memref<64x133xf32, #tpu.memory_space<vmem>>
        tpu.vector_store_idx %scatter3A_411[%add3A_390, %select_n3A], %broadcast_in_dim3A_5 : memref<64x133xf32, #tpu.memory_space<vmem>>[vector<16xi32>, vector<16xi32>], vector<16xf32>,
        %mul3A_412 = arith.constant 16 : i32
        %mul3A_413 = arith.muli %scan3A_386, %mul3A_412 : i32
        %add3A_414 = arith.constant 64 : i32
        %add3A_415 = arith.addi %add3A_414, %mul3A_413 : i32
        %swap3A_416 = arith.index_cast %add3A_415 : i32 to index
        %swap3A_417 = tpu.vector_load %arg9[%swap3A_416] {strides = array<i32>} : memref<128xi32, #tpu.memory_space<vmem>>, vector<16xi32>,
        tpu.vector_store %arg9[%swap3A_416], %select_n3A {strides = array<i32>} : memref<128xi32, #tpu.memory_space<vmem>>, vector<16xi32>,
      }
      %scan3A_364 = arith.constant 4 : i32
      %mul3A_365 = arith.constant 64 : i32
      %mul3A_366 = arith.muli %add3A_297, %mul3A_365 : i32
      %add3A_367 = arith.addi %mul3A_2, %mul3A_366 : i32
      %dma_start3A_368 = arith.constant 1 : i32
      %dma_start3A_369 = arith.constant 0 : i32
      %dma_start3A_370 = arith.constant 0 : i32
      %dma_start3A_371 = tpu.memref_slice %arg5[%dma_start3A_368, %dma_start3A_369, %dma_start3A_370] : memref<2x64x133xf32, #tpu.memory_space<vmem>> -> memref<1x64x133xf32, #tpu.memory_space<vmem>>
      %dma_start3A_372 = tpu.memref_squeeze %dma_start3A_371 : memref<1x64x133xf32, #tpu.memory_space<vmem>> -> memref<64x133xf32, #tpu.memory_space<vmem>>
      %dma_start3A_373 = arith.constant 0 : i32
      %dma_start3A_374 = tpu.memref_slice %arg3[%add3A_367, %dma_start3A_373] : memref<262144x133xf32, #tpu.memory_space<hbm>> -> memref<64x133xf32, #tpu.memory_space<hbm>>
      %dma_start3A_375 = arith.constant 0 : i32
      %dma_start3A_376 = tpu.memref_slice %arg3[%add3A_367, %dma_start3A_375] : memref<262144x133xf32, #tpu.memory_space<hbm>> -> memref<64x133xf32, #tpu.memory_space<hbm>>
      %dma_start3A_377 = arith.constant 0 : i32
      %dma_start3A_378 = arith.constant 0 : i32
      %dma_start3A_379 = tpu.memref_slice %arg5[%dma_start3A_368, %dma_start3A_377, %dma_start3A_378] : memref<2x64x133xf32, #tpu.memory_space<vmem>> -> memref<1x64x133xf32, #tpu.memory_space<vmem>>
      %dma_start3A_380 = tpu.memref_squeeze %dma_start3A_379 : memref<1x64x133xf32, #tpu.memory_space<vmem>> -> memref<64x133xf32, #tpu.memory_space<vmem>>
      tpu.enqueue_dma source(%dma_start3A_380 : memref<64x133xf32, #tpu.memory_space<vmem>>) target(%dma_start3A_376 : memref<64x133xf32, #tpu.memory_space<hbm>>) target_semaphore(%arg13 : memref<!tpu.dma_semaphore, #tpu.memory_space<semaphore_mem>>)
      %le3A_381 = arith.constant 62 : i32
      %le3A_382 = arith.cmpi sle, %scan3A_205, %le3A_381 : i32
      %convert_element_type3A_383 = arith.extui %le3A_382 : i1 to i32
      %cond3A_384 = arith.constant 0 : i32
      %cond3A_385 = arith.cmpi ne, %convert_element_type3A_383, %cond3A_384 : i32
      scf.if %cond3A_385 {
        %add3A_386 = arith.constant 2 : i32
        %add3A_387 = arith.addi %add3A_297, %add3A_386 : i32
        %mul3A_388 = arith.constant 64 : i32
        %mul3A_389 = arith.muli %add3A_387, %mul3A_388 : i32
        %add3A_390 = arith.addi %mul3A_2, %mul3A_389 : i32
        %dma_start3A_391 = arith.constant 1 : i32
        %dma_start3A_392 = arith.constant 0 : i32
        %dma_start3A_393 = arith.constant 0 : i32
        %dma_start3A_394 = tpu.memref_slice %arg4[%dma_start3A_391, %dma_start3A_392, %dma_start3A_393] : memref<2x64x133xf32, #tpu.memory_space<vmem>> -> memref<1x64x133xf32, #tpu.memory_space<vmem>>
        %dma_start3A_395 = tpu.memref_squeeze %dma_start3A_394 : memref<1x64x133xf32, #tpu.memory_space<vmem>> -> memref<64x133xf32, #tpu.memory_space<vmem>>
        %dma_start3A_396 = arith.constant 0 : i32
        %dma_start3A_397 = tpu.memref_slice %arg2[%add3A_390, %dma_start3A_396] : memref<262144x133xf32, #tpu.memory_space<hbm>> -> memref<64x133xf32, #tpu.memory_space<hbm>>
        %dma_start3A_398 = arith.constant 0 : i32
        %dma_start3A_399 = arith.constant 0 : i32
        %dma_start3A_400 = tpu.memref_slice %arg4[%dma_start3A_391, %dma_start3A_398, %dma_start3A_399] : memref<2x64x133xf32, #tpu.memory_space<vmem>> -> memref<1x64x133xf32, #tpu.memory_space<vmem>>
        %dma_start3A_401 = tpu.memref_squeeze %dma_start3A_400 : memref<1x64x133xf32, #tpu.memory_space<vmem>> -> memref<64x133xf32, #tpu.memory_space<vmem>>
        %dma_start3A_402 = arith.constant 0 : i32
        %dma_start3A_403 = tpu.memref_slice %arg2[%add3A_390, %dma_start3A_402] : memref<262144x133xf32, #tpu.memory_space<hbm>> -> memref<64x133xf32, #tpu.memory_space<hbm>>
        tpu.enqueue_dma source(%dma_start3A_403 : memref<64x133xf32, #tpu.memory_space<hbm>>) target(%dma_start3A_401 : memref<64x133xf32, #tpu.memory_space<vmem>>) target_semaphore(%arg11 : memref<!tpu.dma_semaphore, #tpu.memory_space<semaphore_mem>>)
      } else {
      }
    }
    %scan3A_175 = arith.constant 64 : i32
    %add3A_176 = arith.constant 8064 : i32
    %add3A_177 = arith.addi %mul3A_2, %add3A_176 : i32
    %dma_wait3A = arith.constant 0 : i32
    %dma_wait3A_178 = arith.constant 0 : i32
    %dma_wait3A_179 = arith.constant 0 : i32
    %dma_wait3A_180 = tpu.memref_slice %arg5[%dma_wait3A, %dma_wait3A_178, %dma_wait3A_179] : memref<2x64x133xf32, #tpu.memory_space<vmem>> -> memref<1x64x133xf32, #tpu.memory_space<vmem>>
    %dma_wait3A_181 = tpu.memref_squeeze %dma_wait3A_180 : memref<1x64x133xf32, #tpu.memory_space<vmem>> -> memref<64x133xf32, #tpu.memory_space<vmem>>
    %dma_wait3A_182 = arith.constant 0 : i32
    %dma_wait3A_183 = tpu.memref_slice %arg3[%add3A_177, %dma_wait3A_182] : memref<262144x133xf32, #tpu.memory_space<hbm>> -> memref<64x133xf32, #tpu.memory_space<hbm>>
    %dma_wait3A_184 = arith.constant 0 : i32
    %dma_wait3A_185 = tpu.memref_slice %arg3[%add3A_177, %dma_wait3A_184] : memref<262144x133xf32, #tpu.memory_space<hbm>> -> memref<64x133xf32, #tpu.memory_space<hbm>>
    %dma_wait3A_186 = arith.constant 0 : i32
    %dma_wait3A_187 = arith.constant 0 : i32
    %dma_wait3A_188 = tpu.memref_slice %arg5[%dma_wait3A, %dma_wait3A_186, %dma_wait3A_187] : memref<2x64x133xf32, #tpu.memory_space<vmem>> -> memref<1x64x133xf32, #tpu.memory_space<vmem>>
    %dma_wait3A_189 = tpu.memref_squeeze %dma_wait3A_188 : memref<1x64x133xf32, #tpu.memory_space<vmem>> -> memref<64x133xf32, #tpu.memory_space<vmem>>
    tpu.wait_dma2 semaphore(%arg12 : memref<!tpu.dma_semaphore, #tpu.memory_space<semaphore_mem>>) src(%dma_wait3A_189 : memref<64x133xf32, #tpu.memory_space<vmem>>) dst(%dma_wait3A_185 : memref<64x133xf32, #tpu.memory_space<hbm>>)
    %add3A_190 = arith.constant 8128 : i32
    %add3A_191 = arith.addi %mul3A_2, %add3A_190 : i32
    %dma_wait3A_192 = arith.constant 1 : i32
    %dma_wait3A_193 = arith.constant 0 : i32
    %dma_wait3A_194 = arith.constant 0 : i32
    %dma_wait3A_195 = tpu.memref_slice %arg5[%dma_wait3A_192, %dma_wait3A_193, %dma_wait3A_194] : memref<2x64x133xf32, #tpu.memory_space<vmem>> -> memref<1x64x133xf32, #tpu.memory_space<vmem>>
    %dma_wait3A_196 = tpu.memref_squeeze %dma_wait3A_195 : memref<1x64x133xf32, #tpu.memory_space<vmem>> -> memref<64x133xf32, #tpu.memory_space<vmem>>
    %dma_wait3A_197 = arith.constant 0 : i32
    %dma_wait3A_198 = tpu.memref_slice %arg3[%add3A_191, %dma_wait3A_197] : memref<262144x133xf32, #tpu.memory_space<hbm>> -> memref<64x133xf32, #tpu.memory_space<hbm>>
    %dma_wait3A_199 = arith.constant 0 : i32
    %dma_wait3A_200 = tpu.memref_slice %arg3[%add3A_191, %dma_wait3A_199] : memref<262144x133xf32, #tpu.memory_space<hbm>> -> memref<64x133xf32, #tpu.memory_space<hbm>>
    %dma_wait3A_201 = arith.constant 0 : i32
    %dma_wait3A_202 = arith.constant 0 : i32
    %dma_wait3A_203 = tpu.memref_slice %arg5[%dma_wait3A_192, %dma_wait3A_201, %dma_wait3A_202] : memref<2x64x133xf32, #tpu.memory_space<vmem>> -> memref<1x64x133xf32, #tpu.memory_space<vmem>>
    %dma_wait3A_204 = tpu.memref_squeeze %dma_wait3A_203 : memref<1x64x133xf32, #tpu.memory_space<vmem>> -> memref<64x133xf32, #tpu.memory_space<vmem>>
    tpu.wait_dma2 semaphore(%arg13 : memref<!tpu.dma_semaphore, #tpu.memory_space<semaphore_mem>>) src(%dma_wait3A_204 : memref<64x133xf32, #tpu.memory_space<vmem>>) dst(%dma_wait3A_200 : memref<64x133xf32, #tpu.memory_space<hbm>>)
    return
  }
}

</mosaic_0001>

<sc_bundles>
// kernel: kernel.3.cloned.1.call-start
scs
__scs_entry_jumppad:
0x0: {  	(pc) =	sbr.rel $0x88, $3  }
0x1: {  	(tag) =	ssettag $0x0;
	lr =	simm.s32 $0x1  }
0x2: {  	[smem:$0x3FA0] =	sst lr;
	_ =	strace $0xD0000000  }
0x3: {  	_ = 	snop  }
0x4: {  	_ = 	snop  }
0x5: {  	_ = 	snop  }
0x6: {  	_ = 	snop  }
0x7: {  	_ = 	snop  }
__scs_overlays_trampoline_lowered:
0x8: {  	[smem:$0x3FAF] =	sst s0  }
0x9: {  	[smem:$0x3FB0] =	sst s1  }
0xa: {  	[smem:$0x3FB1] =	sst s2  }
0xb: {  	[smem:$0x3FB2] =	sst s3  }
0xc: {  	[smem:$0x3FB3] =	sst s4  }
0xd: {  	[smem:$0x3FB4] =	sst s5  }
0xe: {  	[smem:$0x3FB5] =	sst s6  }
0xf: {  	[smem:$0x3FB6] =	sst s7  }
0x10: {  	[smem:$0x3FB7] =	sst s8  }
0x11: {  	[smem:$0x3FB8] =	sst s9;
	s0 =	simm.s32 @!p0 $0x0  }
0x12: {  	s1 =	sld [smem:$0x3F9E];
	s0 =	simm.s32 @p0 $0x1  }
0x13: {  	[smem:$0x3FB9] =	sst s0;
	s0 =	simm.s32 @!p1 $0x0  }
0x14: {  	s2 =	sld [smem:$0x3F9D];
	s0 =	simm.s32 @p1 $0x1  }
0x15: {  	[smem:$0x3FBA] =	sst s0;
	s0 =	simm.s32 @!p2 $0x0  }
0x16: {  	s3 =	sld [smem:$0x3FDB];
	s0 =	simm.s32 @p2 $0x1  }
0x17: {  	s4 =	simm.s32 $0x1BF5;
	[smem:$0x3FBC] =	sst s0  }
0x18: {  	s0 =	sld [smem:$0x3F9F];
	_ =	swait.ge [sflag:s4], $0x0  }
0x19: {  	s7 =	sld [smem:$0x3FA0]  }
0x1a: {  	s8 =	sadd.s32 $0xFFFFE003, lr  }
0x1b: {  	s9 =	sadd.s32 $0xFFFFFEF7, lr;
	s5 =	simm.s32 $0xFFFFFFFF;
	p2 =	slt.u32 s8, $0xFFFFF086  }
0x1c: {  	p1 =	slt.u32 s9, $0xF7A;
	s5 =	simm.s32 @!p2 $0x0  }
0x1d: {  	s5 =	simm.s32 @p1 $0x1;
	p0 =	seq.s32 s7, s2  }
0x1e: {  	s7 =	smul.u32 @!p0 $0xF7A, s2;
	p2 =	seq.s32 @!p0 s5, $0x0  }
0x1f: {  	s9 =	smul.u32 $0xF7A, s1;
	s8 =	simm.s32 @!p0 $0x1BF5;
	p2 =	por !p2, p0  }
0x20: {  	[sflag:s8] =	ssyncset.s32 @!p0 $0xFFFFF086;
	s6 =	sadd.s32 @!p0 s3, s7;
	s7 =	simm.s32 @!p0 $0x108  }
0x21: {  	s3 =	sadd.s32 s3, s9;
	s6 =	sadd.s32 @!p0 $0x88, s6;
	s7 =	simm.s32 @p2 $0x1082  }
0x22: {  	[simem:s7], [sflag:s8] =	dma.local @!p0 [hbm:s6], $0xF7A  }
0x23: {  	s9 =	sor.u32 $0xD0000000, s2;
	s6 =	simm.s32 $0x108;
	_ =	swait.ge @!p0 [sflag:s8], $0x0  }
0x24: {  	s3 =	sadd.s32 $0x88, s3;
	s6 =	simm.s32 @!p1 $0x1082;
	[sflag:s4] =	ssyncset.s32 $0xFFFFF086  }
0x25: {  	[simem:s6], [sflag:s4] =	dma.local [hbm:s3], $0xF7A  }
0x26: {  	[smem:$0x3FA0] =	sst s1;
	(tag) =	ssettag s2;
	_ =	strace s9  }
0x27: {  	s1 =	sld [smem:$0x3FB0]  }
0x28: {  	s2 =	sld [smem:$0x3FB1]  }
0x29: {  	s4 =	sld [smem:$0x3FB3]  }
0x2a: {  	p0 =	seq.s32 s5, $0x0;
	s5 =	sld [smem:$0x3FB4]  }
0x2b: {  	s6 =	sld [smem:$0x3FB5]  }
0x2c: {  	s7 =	sld [smem:$0x3FB6]  }
0x2d: {  	s3 =	simm.s32 $0x108;
	s8 =	sld [smem:$0x3FB7]  }
0x2e: {  	s3 =	simm.s32 @!p0 $0x1082;
	s9 =	sld [smem:$0x3FB8]  }
0x2f: {  	lr =	sadd.s32 s0, s3;
	s0 =	sld [smem:$0x3FAF]  }
0x30: {  	s3 =	sld [smem:$0x3FB2]  }
0x31: {  	[smem:$0x3FBB] =	sst s10  }
0x32: {  	s10 =	sld [smem:$0x3FB9];
	_ =	sdelay $0x3  }
0x33: {  	p0 =	seq.s32 s10, $0x1;
	s10 =	sld [smem:$0x3FBB];
	_ =	sdelay $0x3  }
0x34: {  	[smem:$0x3FBB] =	sst s10  }
0x35: {  	s10 =	sld [smem:$0x3FBA];
	_ =	sdelay $0x3  }
0x36: {  	p1 =	seq.s32 s10, $0x1;
	s10 =	sld [smem:$0x3FBB];
	_ =	sdelay $0x3  }
0x37: {  	[smem:$0x3FBB] =	sst s10  }
0x38: {  	s10 =	sld [smem:$0x3FBC]  }
0x39: {  	_ = 	snop;
	(pc) =	sbr.ind lr, $3  }
0x3a: {  	_ = 	snop  }
0x3b: {  	_ = 	snop  }
0x3c: {  	p2 =	seq.s32 s10, $0x1;
	s10 =	sld [smem:$0x3FBB]  }
0x3d: {  	_ =	shalt  }
0x3e: {  	_ =	shalt  }
0x3f: {  	_ =	shalt  }
0x40: {  	_ =	shalt  }
0x41: {  	_ =	shalt  }
0x42: {  	_ =	shalt  }
0x43: {  	_ =	shalt  }
0x44: {  	_ =	shalt  }
0x45: {  	_ =	shalt  }
0x46: {  	_ =	shalt  }
0x47: {  	_ =	shalt  }
0x48: {  	_ =	shalt  }
0x49: {  	_ =	shalt  }
0x4a: {  	_ =	shalt  }
0x4b: {  	_ =	shalt  }
0x4c: {  	_ =	shalt  }
0x4d: {  	_ =	shalt  }
0x4e: {  	_ =	shalt  }
0x4f: {  	_ =	shalt  }
0x50: {  	_ =	shalt  }
0x51: {  	_ =	shalt  }
0x52: {  	_ =	shalt  }
0x53: {  	_ =	shalt  }
0x54: {  	_ =	shalt  }
0x55: {  	_ =	shalt  }
0x56: {  	_ =	shalt  }
0x57: {  	_ =	shalt  }
0x58: {  	_ =	shalt  }
0x59: {  	_ =	shalt  }
0x5a: {  	_ =	shalt  }
0x5b: {  	_ =	shalt  }
0x5c: {  	_ =	shalt  }
0x5d: {  	_ =	shalt  }
0x5e: {  	_ =	shalt  }
0x5f: {  	_ =	shalt  }
0x60: {  	_ =	shalt  }
0x61: {  	_ =	shalt  }
0x62: {  	_ =	shalt  }
0x63: {  	_ =	shalt  }
0x64: {  	_ =	shalt  }
0x65: {  	_ =	shalt  }
0x66: {  	_ =	shalt  }
0x67: {  	_ =	shalt  }
0x68: {  	_ =	shalt  }
0x69: {  	_ =	shalt  }
0x6a: {  	_ =	shalt  }
0x6b: {  	_ =	shalt  }
0x6c: {  	_ =	shalt  }
0x6d: {  	_ =	shalt  }
0x6e: {  	_ =	shalt  }
0x6f: {  	_ =	shalt  }
0x70: {  	_ =	shalt  }
0x71: {  	_ =	shalt  }
0x72: {  	_ =	shalt  }
0x73: {  	_ =	shalt  }
0x74: {  	_ =	shalt  }
0x75: {  	_ =	shalt  }
0x76: {  	_ =	shalt  }
0x77: {  	_ =	shalt  }
0x78: {  	_ =	shalt  }
0x79: {  	_ =	shalt  }
0x7a: {  	_ =	shalt  }
0x7b: {  	_ =	shalt  }
0x7c: {  	_ =	shalt  }
0x7d: {  	_ =	shalt  }
0x7e: {  	_ =	shalt  }
0x7f: {  	_ =	shalt  }
0x80: {  	_ =	shalt  }
0x81: {  	_ =	shalt  }
0x82: {  	_ =	shalt  }
0x83: {  	_ =	shalt  }
0x84: {  	_ =	shalt  }
0x85: {  	_ =	shalt  }
0x86: {  	_ =	shalt  }
0x87: {  	_ =	shalt  }
.Lfunc_end0:
.L_simem_size_0:
called_computation_lowered:
.L_overlay_start_0:
0x88: {  	s2 =	sld [smem:$0x3FD9]  }
0x89: {  	s3 =	sld [smem:$0x3FFE];
	_ =	sdelay $0x1  }
0x8a: {  	s1 =	srdreg.scid  }
0x8b: {  	s0 =	sand.u32 $0x1, s1  }
0x8c: {  	s16 =	sshll.u32 s0, $0xA;
	s2 =	sadd.s32 s3, s2  }
0x8d: {  	s2 =	sadd.s32 s2, s16  }
0x8e: {  	[smem:$0x3FC7] =	sst s2  }
0x8f: {  	_ = 	snop  }
0x90: {  	(tm) =	ssettm $0x1  }
0x91: {  	s17 =	sld [smem:$0x3FFB];
	_ =	sdelay $0x3  }
0x92: {  	_ =	strace s17  }
0x93: {  	s2 =	sld [smem:$0x3FFC];
	_ =	sdelay $0x3  }
0x94: {  	_ =	strace s2  }
0x95: {  	s2 =	sld [smem:$0x3FFD];
	_ =	sdelay $0x3  }
0x96: {  	_ =	strace s2  }
0x97: {  	_ =	strace $0x8FFFFFFF  }
0x98: {  	s18 =	sld [smem:$0x3FDB];
	_ =	sdelay $0x1  }
0x99: {  	s19 =	simm.s32 $_scs_section_size  }
0x9a: {  	s4 =	simm.s32 $_size__tile_overlayer_lowered;
	s5 =	simm.s32 $_tile_overlayer_lowered  }
0x9b: {  	s22 =	simm.s32 $0x1BFF;
	s21 =	sshll.u32 s5, $0x1;
	s2 =	sadd.s32 s19, s18  }
0x9c: {  	s6 =	simm.s32 $0x0;
	s20 =	sshll.u32 s4, $0x1;
	s4 =	sadd.s32 s21, s2  }
0x9d: {  	[timem:s6], [sflag:s22] =	dma.local [hbm:s4], s20  }
0x9e: {  	_ =	swait.ge [sflag:s22], s20  }
0x9f: {  	s3 =	ssub.s32 $0x0, s20;
	[sflag:s22] =	ssyncset.done $0x0  }
0xa0: {  	[sflag:s22] =	ssyncadd.s32 s3;
	_ =	sdelay $0x1  }
0xa1: {  	s23 =	simm.s32 $0x1B8B  }
0xa2: {  	_ =	swait.ge [sflag:s23], $0x1  }
0xa3: {  	[sflag:s23] =	ssyncset.done $0x0  }
0xa4: {  	s25 =	simm.s32 $0x1B8E;
	s24 =	sld [smem:$0x3FFE];
	[sflag:s23] =	ssyncadd.s32 $0xFFFFFFFF  }
0xa5: {  	s26 =	simm.s32 $execute0_lowered;
	[smem:$0x3FD2] =	sst s25  }
0xa6: {  	s4 =	sshll.u32 s26, $0x1;
	_ =	strace $0x80000046;
	[dreg:$0x1] =	wrdreg $0xFFFFFFFF  }
0xa7: {  	s28 =	simm.s32 $_size_execute0_lowered;
	s2 =	sadd.s32 s2, s4;
	[dreg:$0x0] =	wrdreg $0x0  }
0xa8: {  	s4 =	sshll.u32 s28, $0x1;
	[dreg:$0x2] =	wrdreg s2  }
0xa9: {  	[dreg:$0x3] =	wrdreg s4  }
0xaa: {  	[dreg:$0x4] =	wrdreg $0xC0  }
0xab: {  	_ =	task [dreg:s6], $0x5FFFF  }
0xac: {  	[dreg:$0x1] =	wrdreg $0xFFFFFFFF  }
0xad: {  	[dreg:$0x0] =	wrdreg $0x60  }
0xae: {  	[dreg:$0x2] =	wrdreg s24  }
0xaf: {  	[dreg:$0x3] =	wrdreg $0x9  }
0xb0: {  	_ =	task.clear_ibuf [dreg:s6], $0x4FFFF;
	_ =	strace $0x90000046  }
0xb1: {  	s29 =	simm.s32 $0x9;
	_ =	strace $0x80000048  }
0xb2: {  	_ =	swait.ge [sflag:s29], $0x1  }
0xb3: {  	[sflag:s29] =	ssyncadd.s32 $0xFFFFFFFF  }
0xb4: {  	_ =	strace $0x90000048  }
0xb5: {  	_ =	sfence  }
0xb6: {  	s30 =	sld [smem:$0x0];
	_ =	sdelay $0x2  }
0xb7: {  	s31 =	sshll.u32 s1, $0xD;
	s1 =	sshrl.u32 s1, $0x2  }
0xb8: {  	s3 =	sand.u32 $0x4000, s31;
	s1 =	sadd.s32 s1, s30  }
0xb9: {  	s0 =	sor.u32 s3, s0;
	s1 =	sshll.u32 s1, $0x11  }
0xba: {  	s0 =	sor.u32 s1, s0  }
0xbb: {  	s0 =	sadd.s32 $0x8F2B, s0  }
0xbc: {  	[sflag:s0] =	ssyncadd.remote.s32 $0x1  }
0xbd: {  	_ =	sfence.sel $0xFFFF  }
0xbe: {  	[dreg:$0x0] =	wrdreg $0xFFFFFFFF;
	(pc) =	sbr.abs _section_cstart, $3  }
0xbf: {  	[dreg:$0x1] =	wrdreg $0xFFFFFFFF  }
0xc0: {  	_ =	task.clear_ibuf [dreg:s6], $0x2FFFF;
	_ =	strace $0x9FFFFFFF  }
0xc1: {  	(tm) =	ssettm $0x7FFFFFFF  }
tec
execute0_lowered:
.L_overlay_start_1:
0x0: {  	(tag) =	ssettag $0x1  }
0x1: {  	v0 =	vimm.s32 $0xB80  }
0x2: {  	vm0 =	vcmask $0x300;
	vm1 =	vcmask $0x704;
	vm2 =	vcmask $0xB08  }
0x3: {  	v5 =	vimm.s32 $0x3B80;
	vm3 =	vcmask $0x2724;
	v1 =	vsel vm0, $0x0, v0  }
0x4: {  	v0 =	vimm.f32 $0.0e+00;
	v5 =	vsel vm0, $0x3000, v5;
	v2 =	vsel vm1, $0x80, v1  }
0x5: {  	v1 =	vlaneseq.u32;
	v5 =	vsel vm1, $0x3080, v5;
	v3 =	vsel vm2, $0x100, v2  }
0x6: {  	v2 =	vimm.s32 $0x1B80;
	v5 =	vsel vm2, $0x3100, v5;
	v19 =	vand.u32 $0x7, v1  }
0x7: {  	v4 =	vsel vm0, $0x1000, v2;
	v2 =	vimm.s32 $0x2B80;
	v19 =	vmul.u32 $0x80, v19  }
0x8: {  	v6 =	vsel vm0, $0x2000, v2;
	vm0 =	vcmask $0xF0C;
	v2 =	vor.u32 $0x400, v1  }
0x9: {  	v4 =	vsel vm1, $0x1080, v4;
	v7 =	vsel vm0, $0x180, v3;
	v6 =	vsel vm1, $0x2080, v6  }
0xa: {  	vm1 =	vcmask $0x1310;
	v3 =	vimm.s32 $0x0;
	v8 =	vsel vm2, $0x1100, v4  }
0xb: {  	v4 =	vimm.f32 $1.000000000e+00;
	v9 =	vsel vm0, $0x3180, v5;
	v5 =	vor.u32 $0x10, v1  }
0xc: {  	v7 =	vsel vm1, $0x200, v7;
	v6 =	vsel vm2, $0x2100, v6;
	vm2 =	vcmask $0x1714  }
0xd: {  	v8 =	vsel vm0, $0x1180, v8;
	v9 =	vsel vm1, $0x3200, v9;
	v7 =	vsel vm2, $0x280, v7  }
0xe: {  	v6 =	vsel vm0, $0x2180, v6;
	vm0 =	vcmask $0x1B18;
	v8 =	vsel vm1, $0x1200, v8  }
0xf: {  	v9 =	vsel vm2, $0x3280, v9;
	v7 =	vsel vm0, $0x300, v7;
	v10 =	vsel vm1, $0x2200, v6  }
0x10: {  	vm1 =	vcmask $0x1F1C;
	v6 =	vor.u32 $0x20, v1;
	v8 =	vsel vm2, $0x1280, v8  }
0x11: {  	v9 =	vsel vm0, $0x3300, v9;
	v11 =	vsel vm1, $0x380, v7;
	v10 =	vsel vm2, $0x2280, v10  }
0x12: {  	vm2 =	vcmask $0x2320;
	v7 =	vor.u32 $0x30, v1;
	v12 =	vsel vm0, $0x1300, v8  }
0x13: {  	v8 =	vor.u32 $0x40, v1;
	v13 =	vsel vm1, $0x3380, v9;
	v9 =	vor.u32 $0x50, v1  }
0x14: {  	v11 =	vsel vm2, $0x800, v11;
	v10 =	vsel vm0, $0x2300, v10;
	v12 =	vsel vm1, $0x1380, v12  }
0x15: {  	s0 =	rddreg [dreg:$0x0];
	vm0 =	vcmask $0x2B28;
	v13 =	vsel vm2, $0x3800, v13;
	v11 =	vsel vm3, $0x880, v11  }
0x16: {  	s1 =	simm.s32 $0x0;
	s2 =	srdreg.scid;
	s7 =	stileid.u32;
	v10 =	vsel vm1, $0x2380, v10;
	v12 =	vsel vm2, $0x1800, v12;
	vm1 =	vcmask $0x2F2C  }
0x17: {  	s13 =	simm.s32 $0x4000;
	s14 =	simm.s32 $0x8000;
	s15 =	simm.s32 $0xC000;
	v13 =	vsel vm3, $0x3880, v13;
	v11 =	vsel vm0, $0x900, v11;
	v14 =	vsel vm2, $0x2800, v10  }
0x18: {  	s30 =	simm.s32 $0x19000;
	s31 =	simm.s32 $0x19100;
	s18 =	simm.s32 $0x1;
	v10 =	vor.u32 $0x60, v1;
	v12 =	vsel vm3, $0x1880, v12;
	vm2 =	vcmask $0x3330  }
0x19: {  	s19 =	simm.s32 $0x2;
	s20 =	simm.s32 $0x3;
	s21 =	simm.s32 $0x4;
	v13 =	vsel vm0, $0x3900, v13;
	v15 =	vsel vm1, $0x980, v11;
	v14 =	vsel vm3, $0x2880, v14  }
0x1a: {  	s22 =	simm.s32 $0x0;
	[smem:$0x7FF] =	sst s1;
	s2 =	sand.u32 $0x1, s2;
	v11 =	vor.u32 $0x70, v1;
	v12 =	vsel vm0, $0x1900, v12;
	vm3 =	vcmask $0x3734  }
0x1b: {  	s3 =	sadd.s32 $0x400, s0;
	s6 =	sshll.u32 s7, $0x1;
	s4 =	sadd.s32 $0x800400, s0;
	v13 =	vsel vm1, $0x3980, v13;
	v15 =	vsel vm2, $0xA00, v15;
	v14 =	vsel vm0, $0x2900, v14  }
0x1c: {  	s9 =	sshll.u32 s7, $0xE;
	_ =	strace $0x80000047;
	s5 =	ssub.s32 $0x2, s2;
	v16 =	vsel vm1, $0x1980, v12;
	vm0 =	vmmov $0x1f;
	v12 =	vor.u32 $0x80, v1  }
0x1d: {  	s16 =	sor.u32 s2, s6;
	s2 =	sshll.u32 s2, $0xD;
	[dreg:$0x2] =	wrdreg s30;
	v13 =	vsel vm2, $0x3A00, v13;
	v14 =	vsel vm1, $0x2980, v14;
	v15 =	vsel vm3, $0xA80, v15  }
.Ltmp0:
0x1e: {  	[dreg:$0x3] =	wrdreg s31;
	s29 =	sshrl.u32 s5, $0x1;
	v16 =	vsel vm2, $0x1A00, v16;
	v18 =	vsel vm3, $0x3A80, v13;
	v14 =	vsel vm2, $0x2A00, v14;
	(pc) =	sbr.rel .LBB2_1-.Ltmp0, $4  }
0x1f: {  	s6 =	sshll.u32 s16, $0x12;
	s9 =	sor.u32 s2, s9;
	p0 =	sne.s32 s16, $0x0;
	vm2 =	vcmask $0x3B38;
	v16 =	vsel vm3, $0x1A80, v16;
	v17 =	vsel vm3, $0x2A80, v14  }
0x20: {  	s0 =	ssub.s32 s5, s29;
	s5 =	sshll.u32 s16, $0xD;
	s6 =	sadd.s32 s3, s6;
	v13 =	vsel vm2, $0xB00, v15;
	v15 =	vsel vm2, $0x2B00, v17;
	v17 =	vmul.u32 $0xFFFFFFFF, v1  }
0x21: {  	s12 =	sor.u32 $0x40, s9;
	s16 =	simm.s32 $0x10000;
	s7 =	sadd.s32 $0x800, s6;
	vm1 =	vmmov $0x1;
	v14 =	vsel vm2, $0x1B00, v16;
	v16 =	vsel vm2, $0x3B00, v18  }
0x22: {  	s8 =	sor.u32 $0x80, s5;
	s10 =	sor.u32 $0xC0, s5;
	s11 =	smax.u32 s0, $0x1;
	v18 =	vmul.u32 $0x100, v1;
	vm2 =	vmxor vm2, vm2;
	v17 =	vadd.s32 $0x85, v17  }
.LBB2_15:
0x23: {  	s22 =	sadd.s32 $0x1, s22  }
0x24: {  	_ =	swait.ge [sflag:s20], $0x4000;
	p1 =	sne.s32 s22, s11  }
.Ltmp1:
0x25: {  	[sflag:s20] =	ssyncset.done $0x0;
	(pc) =	sbr.rel @!p1 .LBB2_16-.Ltmp1, $4  }
0x26: {  	[sflag:s20] =	ssyncadd.s32 $0xFFFFC000  }
0x27: {  	_ =	swait.ge [sflag:s21], $0x4000  }
0x28: {  	[sflag:s21] =	ssyncset.done $0x0  }
0x29: {  	[sflag:s21] =	ssyncadd.s32 $0xFFFFC000  }
.LBB2_1:
0x2a: {  	[tilespmem:s1], [sflag:$0x1] =	stream.linear.gather [hbm4b:s6+s1], $0x4000, $0x38;
	[tilespmem:$0x19280] =	vst v63  }
0x2b: {  	s0 =	sand.u32 $0x3800, s1;
	s2 =	sand.u32 $0x380, s1;
	s24 =	simm.s32 $0x0  }
0x2c: {  	s25 =	simm.s32 $0x0;
	s23 =	sor.u32 s2, s0;
	s0 =	simm.s32 $0x1  }
0x2d: {  	v20 =	vmov s1;
	[tilespmem:s13], [sflag:$0x2] =	stream.linear.gather [hbm4b:s7+s1], $0x4000, $0x38;
	[tilespmem:$0x19280] =	vst v63  }
.LBB2_2:
0x2e: {  	p1 =	sne.s32 s0, $0x3F;
	[tilespmem:s23+$0x8010] =	vst v0;
	v21 =	vshll.u32 v20, $0x8;
	v20 =	vshll.u32 v20, $0x7  }
0x2f: {  	[tilespmem:s23+$0x8020] =	vst v0;
	v21 =	vand.u32 $0x3800, v21;
	v20 =	vand.u32 $0x380, v20  }
0x30: {  	[tilespmem:s23+$0x8030] =	vst v0;
	v20 =	vor.u32 v20, v21  }
0x31: {  	[tilespmem:s23+$0x8040] =	vst v0;
	v21 =	vor.u32 v2, v20  }
.Ltmp2:
0x32: {  	[tilespmem:s23+$0x8050] =	vst v0;
	(pc) =	sbr.rel @p1 .LBB2_2-.Ltmp2, $4  }
0x33: {  	[tilespmem:s23+$0x8060] =	vst v0  }
0x34: {  	s24 =	sadd.s32 $0x80, s24;
	s25 =	sadd.s32 $0x100, s25;
	[tilespmem:s23+$0x8070] =	vst v0  }
0x35: {  	s2 =	sand.u32 $0x3800, s25;
	s26 =	sand.u32 $0x380, s24;
	[tilespmem:s23+$0x8000] =	vst v0  }
0x36: {  	v20 =	vmov s0;
	s0 =	sadd.s32 $0x1, s0;
	s23 =	sor.u32 s26, s2;
	[tilespmem:v21+s14+$0x0] =	vst.idx.msk $0x1f, v0  }
0x37: {  	[tilespmem:s23+$0x8010] =	vst v0;
	v21 =	vshll.u32 v20, $0x8;
	v20 =	vshll.u32 v20, $0x7  }
0x38: {  	[tilespmem:s23+$0x8020] =	vst v0;
	v21 =	vand.u32 $0x3800, v21;
	v20 =	vand.u32 $0x380, v20  }
0x39: {  	[tilespmem:s23+$0x8030] =	vst v0;
	v20 =	vor.u32 v20, v21  }
0x3a: {  	[tilespmem:s23+$0x8040] =	vst v0;
	v20 =	vor.u32 v2, v20  }
0x3b: {  	[tilespmem:s23+$0x8050] =	vst v0  }
0x3c: {  	[tilespmem:s23+$0x8060] =	vst v0  }
0x3d: {  	[tilespmem:s23+$0x8070] =	vst v0;
	s0 =	simm.s32 $0x0  }
0x3e: {  	[tilespmem:s23+$0x8000] =	vst v0;
	s2 =	sand.u32 $0x3800, s0;
	s31 =	sand.u32 $0x380, s0  }
0x3f: {  	s24 =	simm.s32 $0x1;
	s25 =	simm.s32 $0x0;
	s23 =	sor.u32 s31, s2;
	[tilespmem:v20+s14+$0x0] =	vst.idx.msk $0x1f, v0;
	v20 =	vmov s0  }
.LBB2_4:
0x40: {  	p1 =	sne.s32 s24, $0x3F;
	[tilespmem:s23+$0xC010] =	vst v0;
	v21 =	vshll.u32 v20, $0x8;
	v20 =	vshll.u32 v20, $0x7  }
0x41: {  	[tilespmem:s23+$0xC020] =	vst v0;
	v21 =	vand.u32 $0x3800, v21;
	v20 =	vand.u32 $0x380, v20  }
0x42: {  	[tilespmem:s23+$0xC030] =	vst v0;
	v20 =	vor.u32 v20, v21  }
0x43: {  	[tilespmem:s23+$0xC040] =	vst v0;
	v21 =	vor.u32 v2, v20  }
.Ltmp3:
0x44: {  	[tilespmem:s23+$0xC050] =	vst v0;
	(pc) =	sbr.rel @p1 .LBB2_4-.Ltmp3, $4  }
0x45: {  	[tilespmem:s23+$0xC060] =	vst v0  }
0x46: {  	s0 =	sadd.s32 $0x80, s0;
	s25 =	sadd.s32 $0x100, s25;
	[tilespmem:s23+$0xC070] =	vst v0  }
0x47: {  	s2 =	sand.u32 $0x3800, s25;
	s26 =	sand.u32 $0x380, s0;
	[tilespmem:s23+$0xC000] =	vst v0  }
0x48: {  	v20 =	vmov s24;
	s24 =	sadd.s32 $0x1, s24;
	s23 =	sor.u32 s26, s2;
	[tilespmem:v21+s15+$0x0] =	vst.idx.msk $0x1f, v0  }
0x49: {  	[tilespmem:s23+$0xC010] =	vst v0;
	v21 =	vshll.u32 v20, $0x8;
	v20 =	vshll.u32 v20, $0x7  }
0x4a: {  	[tilespmem:s23+$0xC020] =	vst v0;
	v21 =	vand.u32 $0x3800, v21;
	v20 =	vand.u32 $0x380, v20  }
0x4b: {  	[tilespmem:s23+$0xC030] =	vst v0;
	v20 =	vor.u32 v20, v21  }
0x4c: {  	[tilespmem:s23+$0xC040] =	vst v0;
	v20 =	vor.u32 v2, v20  }
0x4d: {  	[tilespmem:s23+$0xC050] =	vst v0  }
0x4e: {  	[tilespmem:s23+$0xC060] =	vst v0  }
0x4f: {  	[tilespmem:s23+$0xC070] =	vst v0  }
0x50: {  	[tilespmem:s23+$0xC000] =	vst v0  }
0x51: {  	[tilespmem:v20+s15+$0x0] =	vst.idx.msk $0x1f, v0  }
0x52: {  	[tilespmem:$0x19200] =	vst v3  }
0x53: {  	[tilespmem:$0x19210] =	vst v3  }
0x54: {  	[tilespmem:$0x19220] =	vst v3  }
.Ltmp4:
0x55: {  	[tilespmem:$0x19230] =	vst v3;
	(pc) =	sbr.rel @p0 .LBB2_8-.Ltmp4, $4  }
0x56: {  	[tilespmem:$0x19240] =	vst v3  }
0x57: {  	[tilespmem:$0x19250] =	vst v3  }
0x58: {  	[tilespmem:$0x19260] =	vst v3  }
0x59: {  	[tilespmem:$0x19270] =	vst v3  }
0x5a: {  	s23 =	simm.s32 $0x0;
	s0 =	simm.s32 $0x5  }
0x5b: {  	[tilespmem:s16], [sflag:$0x5] =	stream.linear.gather [hbm4b:s3+s23], $0x9000, $0x38;
	[tilespmem:$0x19280] =	vst v63  }
0x5c: {  	_ =	swait.ge [sflag:s0], $0x9000  }
0x5d: {  	[sflag:s0] =	ssyncset.done $0x0  }
0x5e: {  	[sflag:s0] =	ssyncadd.s32 $0xFFFF7000  }
0x5f: {  	[tilespmem:$0x19100] =	vst v4  }
0x60: {  	[tilespmem:$0x19110] =	vst v4  }
0x61: {  	[tilespmem:$0x19120] =	vst v4  }
0x62: {  	[tilespmem:$0x19130] =	vst v4  }
0x63: {  	[tilespmem:$0x19140] =	vst v4  }
0x64: {  	[tilespmem:$0x19150] =	vst v4  }
0x65: {  	[tilespmem:$0x19160] =	vst v4  }
0x66: {  	[tilespmem:$0x19170] =	vst v4  }
0x67: {  	[tilespmem:$0x19180] =	vst v4  }
.LBB2_7:
0x68: {  	v20 =	vmov s23  }
0x69: {  	v21 =	vshll.u32 v20, $0x8;
	v22 =	vshll.u32 v20, $0x7  }
0x6a: {  	v30 =	vand.u32 $0xF800, v21;
	v29 =	vand.u32 $0x380, v22  }
0x6b: {  	v23 =	vor.u32 v29, v30  }
0x6c: {  	v43 =	vor.u32 v1, v23;
	_ =	sdelay $0x2  }
0x6d: {  	v44 =	vor.u32 v5, v23  }
0x6e: {  	v25 =	vld [tilespmem:$0x19100]  }
0x6f: {  	v24 =	vor.u32 v6, v23;
	v31 =	vld.idx.msk [tilespmem:v43+s16+$0x0], $0xffff  }
0x70: {  	v46 =	vld [tilespmem:$0x19110]  }
0x71: {  	v47 =	vld [tilespmem:$0x19120];
	v45 =	vor.u32 v7, v23  }
0x72: {  	v28 =	vld.idx.msk [tilespmem:v44+s16+$0x0], $0xffff  }
0x73: {  	v34 =	vld [tilespmem:$0x19130];
	v27 =	vor.u32 v8, v23;
	vm3 =	vgt.f32 v25, $0.0e+00  }
0x74: {  	v26 =	vld.idx.msk [tilespmem:v24+s16+$0x0], $0xffff;
	v33 =	vnsel vm3, $0xFF800000, v31  }
0x75: {  	v36 =	vld [tilespmem:$0x19140];
	v32 =	vor.u32 v9, v23;
	vm3 =	vlt.f32 v33, $-Inf;
	vm4 =	vgt.f32 v33, $-Inf  }
0x76: {  	vm8 =	vgt.f32 v46, $0.0e+00;
	v25 =	vld.idx.msk [tilespmem:v45+s16+$0x0], $0xffff;
	vm3 =	vmor vm4, vm3  }
0x77: {  	v52 =	vld [tilespmem:$0x19150];
	v35 =	vor.u32 v10, v23;
	v49 =	vnsel vm8, $0xFF800000, v28;
	v48 =	vnsel vm3, $0xFF800000, v33  }
0x78: {  	vm5 =	vgt.f32 v47, $0.0e+00;
	v27 =	vld.idx.msk [tilespmem:v27+s16+$0x0], $0xffff;
	vm4 =	vgt.f32 v49, v48  }
0x79: {  	v54 =	vld [tilespmem:$0x19160];
	v37 =	vor.u32 v11, v23;
	v51 =	vnsel vm5, $0xFF800000, v26;
	v50 =	vsel vm4, v49, v48  }
0x7a: {  	vm6 =	vgt.f32 v34, $0.0e+00;
	v21 =	vld.idx.msk [tilespmem:v32+s16+$0x0], $0xffff;
	vm5 =	vgt.f32 v51, v50  }
0x7b: {  	v57 =	vld [tilespmem:$0x19170];
	v55 =	vor.u32 v2, v23;
	v53 =	vnsel vm6, $0xFF800000, v25;
	v24 =	vsel vm5, v51, v50  }
0x7c: {  	vm7 =	vgt.f32 v36, $0.0e+00;
	v22 =	vld.idx.msk [tilespmem:v35+s16+$0x0], $0xffff;
	vm6 =	vgt.f32 v53, v24  }
0x7d: {  	v58 =	vld [tilespmem:$0x19180];
	v56 =	vnsel vm7, $0xFF800000, v27;
	v24 =	vsel vm6, v53, v24  }
0x7e: {  	v23 =	vld.idx.msk [tilespmem:v37+s16+$0x0], $0xffff;
	vm8 =	vgt.f32 v52, $0.0e+00;
	vm7 =	vgt.f32 v56, v24  }
0x7f: {  	vm9 =	vgt.f32 v54, $0.0e+00;
	v38 =	vnsel vm8, $0xFF800000, v21;
	v32 =	vsel vm7, v56, v24  }
0x80: {  	vm10 =	vgt.f32 v57, $0.0e+00;
	v59 =	vnsel vm3, $0x0, v1;
	v24 =	vld.idx.msk [tilespmem:v55+s16+$0x0], $0x1f;
	vm3 =	vgt.f32 v38, v32  }
0x81: {  	v61 =	vnsel vm9, $0xFF800000, v22;
	v37 =	vsel vm4, v5, v59;
	v32 =	vsel vm3, v38, v32  }
0x82: {  	vm11 =	vgt.f32 v58, $0.0e+00;
	v60 =	vsel vm5, v6, v37;
	vm4 =	vgt.f32 v61, v32  }
0x83: {  	v62 =	vnsel vm10, $0xFF800000, v23;
	v34 =	vsel vm6, v7, v60;
	v32 =	vsel vm4, v61, v32  }
0x84: {  	vm5 =	vmand vm11, vm0;
	v63 =	vsel vm7, v8, v34;
	vm12 =	vgt.f32 v62, v32  }
0x85: {  	v33 =	vsel vm3, v9, v63;
	v36 =	vnsel vm5, $0xFF800000, v24;
	v32 =	vsel vm12, v62, v32  }
0x86: {  	v33 =	vsel vm4, v10, v33;
	vm3 =	vgt.f32 v36, v32  }
0x87: {  	v37 =	vsel vm12, v11, v33;
	v38 =	vsel vm3, v36, v32  }
0x88: {  	v39 =	vsel vm3, v12, v37;
	(v2sf) =	vpush v38, $0x0  }
0x89: {  	(v2sf) =	vpush v39, $0x0  }
0x8a: {  	(v2sf) =	vpush v38, $0x1  }
0x8b: {  	(v2sf) =	vpush v39, $0x1;
	_ =	sdelay $0x4  }
0x8c: {  	(v2sf) =	vpush v38, $0x2  }
0x8d: {  	(v2sf) =	vpush v39, $0x2;
	_ =	sdelay $0x4  }
0x8e: {  	(v2sf) =	vpush v38, $0x3  }
0x8f: {  	(v2sf) =	vpush v39, $0x3;
	s25 =	spop (v2sf)  }
0x90: {  	s24 =	spop (v2sf)  }
0x91: {  	s0 =	spop (v2sf)  }
0x92: {  	s2 =	spop (v2sf);
	p1 =	seq.f32 s0, s25  }
0x93: {  	p2 =	slt.s32 s2, s24  }
0x94: {  	(v2sf) =	vpush v38, $0x4;
	p3 =	sgt.f32 s0, s25;
	p1 =	por !p1, !p2  }
0x95: {  	(v2sf) =	vpush v39, $0x4;
	p1 =	por !p1, !p1  }
0x96: {  	p1 =	por p3, p1  }
0x97: {  	s25 =	smov.u32 @p1 s0;
	s0 =	spop (v2sf)  }
0x98: {  	s24 =	smov.u32 @p1 s2;
	s2 =	spop (v2sf);
	p4 =	seq.f32 s0, s25  }
0x99: {  	p5 =	slt.s32 s2, s24  }
0x9a: {  	(v2sf) =	vpush v38, $0x5;
	p6 =	sgt.f32 s0, s25;
	p1 =	por !p4, !p5  }
0x9b: {  	(v2sf) =	vpush v39, $0x5;
	p1 =	por !p1, !p1  }
0x9c: {  	p1 =	por p6, p1  }
0x9d: {  	s25 =	smov.u32 @p1 s0;
	s0 =	spop (v2sf)  }
0x9e: {  	s24 =	smov.u32 @p1 s2;
	s2 =	spop (v2sf);
	p4 =	seq.f32 s0, s25  }
0x9f: {  	p5 =	slt.s32 s2, s24  }
0xa0: {  	(v2sf) =	vpush v38, $0x6;
	p6 =	sgt.f32 s0, s25;
	p1 =	por !p4, !p5  }
0xa1: {  	(v2sf) =	vpush v39, $0x6;
	p1 =	por !p1, !p1  }
0xa2: {  	p1 =	por p6, p1  }
0xa3: {  	s25 =	smov.u32 @p1 s0;
	s0 =	spop (v2sf)  }
0xa4: {  	s24 =	smov.u32 @p1 s2;
	s2 =	spop (v2sf);
	p4 =	seq.f32 s0, s25  }
0xa5: {  	p5 =	slt.s32 s2, s24  }
0xa6: {  	(v2sf) =	vpush v38, $0x7;
	p6 =	sgt.f32 s0, s25;
	p1 =	por !p4, !p5  }
0xa7: {  	(v2sf) =	vpush v39, $0x7;
	p1 =	por !p1, !p1  }
0xa8: {  	p1 =	por p6, p1  }
0xa9: {  	s25 =	smov.u32 @p1 s0;
	s0 =	spop (v2sf)  }
0xaa: {  	s24 =	smov.u32 @p1 s2;
	s2 =	spop (v2sf);
	p4 =	seq.f32 s0, s25  }
0xab: {  	p5 =	slt.s32 s2, s24  }
0xac: {  	(v2sf) =	vpush v38, $0x8;
	p6 =	sgt.f32 s0, s25;
	p1 =	por !p4, !p5  }
0xad: {  	(v2sf) =	vpush v39, $0x8;
	p1 =	por !p1, !p1  }
0xae: {  	p1 =	por p6, p1  }
0xaf: {  	s25 =	smov.u32 @p1 s0;
	s0 =	spop (v2sf)  }
0xb0: {  	s24 =	smov.u32 @p1 s2;
	s2 =	spop (v2sf);
	p4 =	seq.f32 s0, s25  }
0xb1: {  	p5 =	slt.s32 s2, s24  }
0xb2: {  	(v2sf) =	vpush v38, $0x9;
	p6 =	sgt.f32 s0, s25;
	p1 =	por !p4, !p5  }
0xb3: {  	(v2sf) =	vpush v39, $0x9;
	p1 =	por !p1, !p1  }
0xb4: {  	p1 =	por p6, p1  }
0xb5: {  	s25 =	smov.u32 @p1 s0;
	s0 =	spop (v2sf)  }
0xb6: {  	s24 =	smov.u32 @p1 s2;
	s2 =	spop (v2sf);
	p4 =	seq.f32 s0, s25  }
0xb7: {  	p5 =	slt.s32 s2, s24  }
0xb8: {  	(v2sf) =	vpush v38, $0xA;
	p6 =	sgt.f32 s0, s25;
	p1 =	por !p4, !p5  }
0xb9: {  	(v2sf) =	vpush v39, $0xA;
	p1 =	por !p1, !p1  }
0xba: {  	p1 =	por p6, p1  }
0xbb: {  	s25 =	smov.u32 @p1 s0;
	s0 =	spop (v2sf)  }
0xbc: {  	s24 =	smov.u32 @p1 s2;
	s2 =	spop (v2sf);
	p4 =	seq.f32 s0, s25  }
0xbd: {  	p5 =	slt.s32 s2, s24  }
0xbe: {  	(v2sf) =	vpush v38, $0xB;
	p6 =	sgt.f32 s0, s25;
	p1 =	por !p4, !p5  }
0xbf: {  	(v2sf) =	vpush v39, $0xB;
	p1 =	por !p1, !p1  }
0xc0: {  	p1 =	por p6, p1  }
0xc1: {  	s25 =	smov.u32 @p1 s0;
	s0 =	spop (v2sf)  }
0xc2: {  	s24 =	smov.u32 @p1 s2;
	s2 =	spop (v2sf);
	p4 =	seq.f32 s0, s25  }
0xc3: {  	p5 =	slt.s32 s2, s24  }
0xc4: {  	(v2sf) =	vpush v38, $0xC;
	p6 =	sgt.f32 s0, s25;
	p1 =	por !p4, !p5  }
0xc5: {  	(v2sf) =	vpush v39, $0xC;
	p1 =	por !p1, !p1  }
0xc6: {  	p1 =	por p6, p1  }
0xc7: {  	s25 =	smov.u32 @p1 s0;
	s0 =	spop (v2sf)  }
0xc8: {  	s24 =	smov.u32 @p1 s2;
	s2 =	spop (v2sf);
	p4 =	seq.f32 s0, s25  }
0xc9: {  	p5 =	slt.s32 s2, s24  }
0xca: {  	(v2sf) =	vpush v38, $0xD;
	p6 =	sgt.f32 s0, s25;
	p1 =	por !p4, !p5  }
0xcb: {  	(v2sf) =	vpush v39, $0xD;
	p1 =	por !p1, !p1  }
0xcc: {  	p1 =	por p6, p1  }
0xcd: {  	s25 =	smov.u32 @p1 s0;
	s0 =	spop (v2sf)  }
0xce: {  	s24 =	smov.u32 @p1 s2;
	s2 =	spop (v2sf);
	p4 =	seq.f32 s0, s25  }
0xcf: {  	p5 =	slt.s32 s2, s24  }
0xd0: {  	(v2sf) =	vpush v38, $0xE;
	p6 =	sgt.f32 s0, s25;
	p1 =	por !p4, !p5  }
0xd1: {  	(v2sf) =	vpush v39, $0xE;
	p1 =	por !p1, !p1  }
0xd2: {  	p1 =	por p6, p1  }
0xd3: {  	s25 =	smov.u32 @p1 s0;
	s0 =	spop (v2sf)  }
0xd4: {  	s24 =	smov.u32 @p1 s2;
	s2 =	spop (v2sf);
	p4 =	seq.f32 s0, s25  }
0xd5: {  	(v2sf) =	vpush v38, $0xF;
	p5 =	slt.s32 s2, s24  }
0xd6: {  	(v2sf) =	vpush v39, $0xF;
	p6 =	sgt.f32 s0, s25;
	p1 =	por !p4, !p5  }
0xd7: {  	p1 =	por !p1, !p1  }
0xd8: {  	p1 =	por p6, p1  }
0xd9: {  	s25 =	smov.u32 @p1 s0;
	s0 =	spop (v2sf)  }
0xda: {  	s24 =	smov.u32 @p1 s2;
	s2 =	spop (v2sf);
	p4 =	seq.f32 s0, s25  }
0xdb: {  	p5 =	slt.s32 s2, s24  }
0xdc: {  	p6 =	sgt.f32 s0, s25;
	p1 =	por !p4, !p5  }
0xdd: {  	p1 =	por !p1, !p1  }
0xde: {  	p1 =	por p6, p1  }
0xdf: {  	s25 =	smov.u32 @p1 s0;
	s0 =	spop (v2sf)  }
0xe0: {  	s24 =	smov.u32 @p1 s2;
	s2 =	spop (v2sf);
	p4 =	seq.f32 s0, s25  }
0xe1: {  	p5 =	slt.s32 s2, s24  }
0xe2: {  	p6 =	sgt.f32 s0, s25;
	p1 =	por !p4, !p5  }
0xe3: {  	p1 =	por !p1, !p1  }
0xe4: {  	s17 =	spop (v2sf);
	p1 =	por p6, p1  }
0xe5: {  	s25 =	smov.u32 @p1 s0;
	s24 =	smov.u32 @p1 s2;
	s2 =	spop (v2sf)  }
0xe6: {  	p1 =	seq.f32 s17, s25;
	p2 =	slt.s32 s2, s24;
	s26 =	smov.u32 s24  }
0xe7: {  	p3 =	sgt.f32 s17, s25;
	s26 =	smov.u32 @p2 s2  }
0xe8: {  	s24 =	smov.u32 @p1 s26  }
0xe9: {  	s24 =	smov.u32 @p3 s2  }
0xea: {  	v40 =	vmov s24  }
0xeb: {  	v41 =	vshll.u32 v40, $0x3  }
0xec: {  	v33 =	vand.u32 $0xFFFFFC00, v41  }
0xed: {  	v42 =	vand.u32 $0x7F, v40;
	v30 =	vadd.s32 v30, v33  }
0xee: {  	v30 =	vor.u32 v42, v30  }
0xef: {  	v29 =	vor.u32 v29, v30;
	_ =	sdelay $0x4  }
0xf0: {  	v29 =	vld.idx.msk [tilespmem:v29+s16+$0x0], $0xffff;
	_ =	sdelay $0x3  }
0xf1: {  	vm14 =	vgt.s32 v40, v1;
	vm9 =	vgt.s32 v40, v5;
	vm11 =	vgt.s32 v40, v6  }
0xf2: {  	vm8 =	vgt.s32 v40, v8;
	vm3 =	vgt.f32 v31, v29;
	vm13 =	veq.f32 v31, v29  }
0xf3: {  	vm15 =	veq.f32 v28, v29;
	vm10 =	veq.f32 v26, v29;
	vm12 =	veq.f32 v25, v29  }
0xf4: {  	vm4 =	vmand vm13, vm14;
	v43 =	vsel vm3, $0x1, v3;
	vm3 =	vgt.f32 v28, v29  }
0xf5: {  	vm5 =	vmand vm15, vm9;
	vm13 =	vgt.s32 v40, v7;
	vm14 =	vgt.f32 v25, v29  }
0xf6: {  	vm15 =	veq.f32 v27, v29;
	vm9 =	vgt.s32 v40, v9;
	v44 =	vsel vm4, $0x1, v3  }
0xf7: {  	v45 =	vsel vm3, $0x1, v3;
	v46 =	vsel vm5, $0x1, v3;
	vm3 =	vgt.f32 v26, v29  }
0xf8: {  	v49 =	vsel vm14, $0x1, v3;
	v47 =	vsel vm3, $0x1, v3;
	vm3 =	vmand vm12, vm13  }
0xf9: {  	v51 =	vadd.s32 v43, v45;
	v50 =	vsel vm3, $0x1, v3;
	vm3 =	vgt.f32 v27, v29  }
0xfa: {  	v26 =	vadd.s32 v47, v51;
	v52 =	vsel vm3, $0x1, v3;
	vm3 =	vgt.f32 v21, v29  }
0xfb: {  	v26 =	vadd.s32 v49, v26;
	v53 =	vsel vm3, $0x1, v3;
	vm3 =	vgt.f32 v22, v29  }
0xfc: {  	v26 =	vadd.s32 v52, v26;
	v54 =	vsel vm3, $0x1, v3;
	vm3 =	vgt.f32 v23, v29  }
0xfd: {  	v26 =	vadd.s32 v53, v26;
	v55 =	vsel vm3, $0x1, v3;
	vm3 =	vgt.f32 v24, v29  }
0xfe: {  	vm4 =	vmand vm10, vm11;
	v26 =	vadd.s32 v54, v26;
	vm3 =	vmand vm3, vm0  }
0xff: {  	vm10 =	veq.f32 v22, v29;
	v26 =	vadd.s32 v55, v26;
	v56 =	vsel vm3, $0x1, v3  }
0x100: {  	vm11 =	vgt.s32 v40, v10;
	vm14 =	veq.f32 v24, v29;
	v57 =	vadd.s32 v56, v26  }
0x101: {  	v48 =	vsel vm4, $0x1, v3;
	vm3 =	veq.f32 v21, v29;
	v21 =	vadd.s32 v44, v57  }
0x102: {  	vm4 =	vmand vm15, vm8;
	vm12 =	veq.f32 v23, v29;
	v21 =	vadd.s32 v46, v21  }
0x103: {  	vm13 =	vgt.s32 v40, v11;
	vm15 =	vgt.s32 v40, v12;
	v21 =	vadd.s32 v48, v21  }
0x104: {  	v58 =	vsel vm4, $0x1, v3;
	vm3 =	vmand vm3, vm9;
	v21 =	vadd.s32 v50, v21  }
0x105: {  	v59 =	vsel vm3, $0x1, v3;
	vm3 =	vmand vm10, vm11;
	v21 =	vadd.s32 v58, v21  }
0x106: {  	v60 =	vsel vm3, $0x1, v3;
	vm3 =	vmand vm12, vm13;
	v21 =	vadd.s32 v59, v21  }
0x107: {  	v61 =	vsel vm3, $0x1, v3;
	vm3 =	vmand vm14, vm15;
	v21 =	vadd.s32 v60, v21  }
0x108: {  	v62 =	vsel vm3, $0x1, v3;
	v21 =	vadd.s32 v61, v21  }
0x109: {  	v22 =	vadd.s32 v62, v21  }
0x10a: {  	(v2sf) =	vpush v22, $0x0  }
0x10b: {  	(v2sf) =	vpush v22, $0x1  }
0x10c: {  	(v2sf) =	vpush v22, $0x2  }
0x10d: {  	(v2sf) =	vpush v22, $0x3  }
0x10e: {  	(v2sf) =	vpush v22, $0x4  }
0x10f: {  	(v2sf) =	vpush v21, $0x5  }
0x110: {  	(v2sf) =	vpush v21, $0x6  }
0x111: {  	(v2sf) =	vpush v21, $0x7  }
0x112: {  	(v2sf) =	vpush v21, $0x8  }
0x113: {  	(v2sf) =	vpush v21, $0x9  }
0x114: {  	(v2sf) =	vpush v21, $0xA  }
0x115: {  	(v2sf) =	vpush v21, $0xB  }
0x116: {  	(v2sf) =	vpush v21, $0xC  }
0x117: {  	(v2sf) =	vpush v21, $0xD  }
0x118: {  	(v2sf) =	vpush v21, $0xE  }
0x119: {  	s25 =	spop (v2sf);
	(v2sf) =	vpush v21, $0xF  }
0x11a: {  	s26 =	spop (v2sf)  }
0x11b: {  	s28 =	spop (v2sf);
	s0 =	sadd.s32 s26, s25  }
0x11c: {  	s29 =	spop (v2sf);
	s0 =	sadd.s32 s28, s0  }
0x11d: {  	s30 =	spop (v2sf);
	s0 =	sadd.s32 s29, s0  }
0x11e: {  	s31 =	spop (v2sf);
	s0 =	sadd.s32 s30, s0  }
0x11f: {  	s17 =	spop (v2sf);
	s0 =	sadd.s32 s31, s0  }
0x120: {  	s26 =	spop (v2sf);
	s0 =	sadd.s32 s17, s0  }
0x121: {  	s28 =	spop (v2sf);
	s0 =	sadd.s32 s26, s0  }
0x122: {  	s29 =	spop (v2sf);
	s0 =	sadd.s32 s28, s0  }
0x123: {  	s30 =	spop (v2sf);
	s0 =	sadd.s32 s29, s0  }
0x124: {  	s31 =	spop (v2sf);
	s0 =	sadd.s32 s30, s0  }
0x125: {  	s17 =	spop (v2sf);
	s0 =	sadd.s32 s31, s0  }
0x126: {  	s26 =	spop (v2sf);
	s0 =	sadd.s32 s17, s0  }
0x127: {  	s28 =	spop (v2sf);
	s0 =	sadd.s32 s26, s0  }
0x128: {  	s0 =	sadd.s32 s28, s0;
	s29 =	spop (v2sf)  }
0x129: {  	s0 =	sadd.s32 s29, s0  }
0x12a: {  	vm3 =	vmmov vm2;
	p1 =	sle.s32 s0, s23  }
0x12b: {  	vm3 =	vmneg @p1 vm3  }
0x12c: {  	vm3 =	vmand vm3, vm1  }
0x12d: {  	s24 =	simm.s32 @!p1 $0x0;
	p1 =	sne.s32 s23, $0x84  }
.Ltmp5:
0x12e: {  	_ = 	snop;
	(pc) =	sbr.rel @p1 .LBB2_7-.Ltmp5, $4  }
0x12f: {  	_ = 	snop  }
0x130: {  	s30 =	rddreg [dreg:$0x2];
	v63 =	vmov s24  }
0x131: {  	s31 =	rddreg [dreg:$0x3];
	[tilespmem:v20+s30+$0x0] =	vst.idx.msk $0x1, v63  }
0x132: {  	s23 =	sadd.s32 $0x1, s23;
	[tilespmem:v40+s31+$0x0] =	vst.idx.msk vm3, v0  }
.LBB2_8:
0x133: {  	s23 =	simm.s32 $0x0  }
0x134: {  	s24 =	smov.u32 s12;
	s25 =	smov.u32 s9;
	s26 =	simm.s32 $0x0  }
.LBB2_9:
0x135: {  	_ =	swait.ge [sflag:s18], $0x4000  }
0x136: {  	p1 =	seq.s32 s26, $0x0;
	[sflag:s18] =	ssyncset.done $0x0  }
0x137: {  	s0 =	simm.s32 @!p1 $0x3;
	[sflag:s18] =	ssyncadd.s32 $0xFFFFC000  }
0x138: {  	_ =	swait.ge @!p1 [sflag:s0], $0x4000  }
0x139: {  	[sflag:s0] =	ssyncset.done @!p1 $0x0  }
0x13a: {  	[sflag:s0] =	ssyncadd.s32 @!p1 $0xFFFFC000  }
0x13b: {  	v20 =	vld [tilespmem:$0x19200];
	_ =	sdelay $0x4  }
0x13c: {  	v21 =	vshll.u32 v20, $0x3  }
0x13d: {  	v20 =	vand.u32 $0x7F, v20;
	v21 =	vand.u32 $0xFFFFFC00, v21  }
0x13e: {  	v20 =	vor.u32 v20, v21  }
0x13f: {  	v20 =	vadd.s32 v13, v20;
	_ =	sdelay $0x4  }
0x140: {  	[tilespmem:v20+s14+$0x0] =	vst.idx.msk $0xffff, v0  }
0x141: {  	v20 =	vld [tilespmem:$0x19210];
	_ =	sdelay $0x4  }
0x142: {  	v21 =	vshll.u32 v20, $0x3  }
0x143: {  	v20 =	vand.u32 $0x7F, v20;
	v21 =	vand.u32 $0xFFFFFC00, v21  }
0x144: {  	v20 =	vor.u32 v20, v21  }
0x145: {  	v20 =	vadd.s32 v14, v20;
	_ =	sdelay $0x4  }
0x146: {  	[tilespmem:v20+s14+$0x0] =	vst.idx.msk $0xffff, v0  }
0x147: {  	v20 =	vld [tilespmem:$0x19220];
	_ =	sdelay $0x4  }
0x148: {  	v21 =	vshll.u32 v20, $0x3  }
0x149: {  	v20 =	vand.u32 $0x7F, v20;
	v21 =	vand.u32 $0xFFFFFC00, v21  }
0x14a: {  	v20 =	vor.u32 v20, v21  }
0x14b: {  	v20 =	vadd.s32 v15, v20;
	_ =	sdelay $0x4  }
0x14c: {  	[tilespmem:v20+s14+$0x0] =	vst.idx.msk $0xffff, v0  }
0x14d: {  	v20 =	vld [tilespmem:$0x19230];
	_ =	sdelay $0x4  }
0x14e: {  	v21 =	vshll.u32 v20, $0x3  }
0x14f: {  	v20 =	vand.u32 $0x7F, v20;
	v21 =	vand.u32 $0xFFFFFC00, v21  }
0x150: {  	v20 =	vor.u32 v20, v21  }
0x151: {  	v20 =	vadd.s32 v16, v20;
	_ =	sdelay $0x2  }
0x152: {  	s0 =	sadd.s32 $0x0, s25  }
0x153: {  	p2 =	slt.s32 s0, $0x90  }
0x154: {  	v21 =	vmov s0;
	s0 =	simm.s32 @!p2 $0x90;
	[tilespmem:v20+s14+$0x0] =	vst.idx.msk $0xffff, v0  }
0x155: {  	v20 =	vld [tilespmem:s0+$0x19000];
	_ =	sdelay $0x3  }
0x156: {  	v22 =	vmov s23;
	vm3 =	vlt.u32 v21, v17  }
0x157: {  	v21 =	vshll.u32 v22, $0x8;
	v20 =	vnsel vm3, $0x0, v20  }
0x158: {  	v21 =	vor.u32 v18, v21;
	v22 =	vshll.u32 v20, $0x3  }
0x159: {  	v21 =	vand.u32 $0x3800, v21;
	v22 =	vand.u32 $0xFFFFFC00, v22  }
0x15a: {  	v23 =	vand.u32 $0x7F, v20;
	v21 =	vadd.s32 v21, v22  }
0x15b: {  	v21 =	vor.u32 v23, v21  }
0x15c: {  	v21 =	vor.u32 v19, v21;
	_ =	sdelay $0x2  }
0x15d: {  	s28 =	sshll.u32 s26, $0x7  }
0x15e: {  	s30 =	simm.s32 $0x19200;
	s17 =	sadd.s32 $0x10, s25;
	s31 =	simm.s32 $0x10  }
0x15f: {  	s29 =	sor.u32 s5, s28;
	p3 =	slt.s32 s17, $0x90;
	s0 =	simm.s32 $0x20;
	[tilespmem:v21+s14+$0x0] =	vst.idx.msk $0xffff, v4  }
.LBB2_10:
0x160: {  	s2 =	smov.u32 s17  }
0x161: {  	p2 =	sne.s32 s0, $0x30;
	[tilespmem:s30+$0x0] =	vst v20;
	s2 =	simm.s32 @!p3 $0x90  }
0x162: {  	v20 =	vld [tilespmem:s2+$0x19000];
	_ =	sdelay $0x2  }
0x163: {  	v21 =	vmov s17  }
0x164: {  	v22 =	vmov s31;
	s31 =	smov.u32 s0;
	vm3 =	vlt.u32 v21, v17  }
0x165: {  	v21 =	vshll.u32 v22, $0x8;
	v20 =	vnsel vm3, $0x0, v20  }
0x166: {  	v21 =	vor.u32 v18, v21;
	v22 =	vshll.u32 v20, $0x3  }
0x167: {  	v21 =	vand.u32 $0x3800, v21;
	v22 =	vand.u32 $0xFFFFFC00, v22  }
0x168: {  	v23 =	vand.u32 $0x7F, v20;
	v21 =	vadd.s32 v21, v22  }
0x169: {  	v21 =	vor.u32 v23, v21  }
0x16a: {  	v21 =	vor.u32 v19, v21  }
.Ltmp6:
0x16b: {  	(pc) =	sbr.rel @p2 .LBB2_10-.Ltmp6, $3  }
0x16c: {  	_ =	sdelay $0x1  }
0x16d: {  	s17 =	sadd.s32 s0, s25  }
0x16e: {  	s0 =	sadd.s32 $0x10, s0;
	s30 =	sadd.s32 $0x10, s30;
	p3 =	slt.s32 s17, $0x90;
	[tilespmem:v21+s14+$0x0] =	vst.idx.msk $0xffff, v4  }
0x16f: {  	v21 =	vmov s17;
	s17 =	simm.s32 @!p3 $0x90;
	[tilespmem:s30+$0x0] =	vst v20  }
0x170: {  	v20 =	vld [tilespmem:s17+$0x19000];
	_ =	sdelay $0x3  }
0x171: {  	v22 =	vmov s31;
	vm3 =	vlt.u32 v21, v17  }
0x172: {  	v21 =	vshll.u32 v22, $0x8;
	v20 =	vnsel vm3, $0x0, v20  }
0x173: {  	v21 =	vor.u32 v18, v21;
	v22 =	vshll.u32 v20, $0x3  }
0x174: {  	v21 =	vand.u32 $0x3800, v21;
	v22 =	vand.u32 $0xFFFFFC00, v22  }
0x175: {  	v23 =	vand.u32 $0x7F, v20;
	v21 =	vadd.s32 v21, v22  }
0x176: {  	v21 =	vor.u32 v23, v21  }
0x177: {  	v21 =	vor.u32 v19, v21;
	_ =	sdelay $0x4  }
0x178: {  	s0 =	sadd.s32 $0x10, s30;
	s2 =	sshll.u32 s29, $0x5;
	p2 =	seq.s32 s26, $0x3F;
	[tilespmem:v21+s14+$0x0] =	vst.idx.msk $0xffff, v4  }
0x179: {  	s2 =	sadd.s32 s4, s2;
	[tilespmem:s0+$0x0] =	vst v20;
	s0 =	sadd.s32 @!p2 s28, s8  }
0x17a: {  	[hbm4b:s2+s1] =	stream.linear.scatter [tilespmem:s14], [sflag:$0x3], $0x4000, $0x38;
	[tilespmem:$0x19280] =	vst v63  }
0x17b: {  	s0 =	sshll.u32 @!p2 s0, $0x5  }
0x17c: {  	s2 =	simm.s32 @!p2 $0x0;
	s0 =	sadd.s32 @!p2 s3, s0  }
0x17d: {  	[tilespmem:s2], [sflag:$0x1] =	stream.linear.gather @!p2 [hbm4b:s0+s2], $0x4000, $0x38;
	[tilespmem:$0x19280] =	vst v63  }
0x17e: {  	_ =	swait.ge [sflag:s19], $0x4000  }
0x17f: {  	[sflag:s19] =	ssyncset.done $0x0  }
0x180: {  	s0 =	simm.s32 @!p1 $0x4;
	[sflag:s19] =	ssyncadd.s32 $0xFFFFC000  }
0x181: {  	_ =	swait.ge @!p1 [sflag:s0], $0x4000  }
0x182: {  	[sflag:s0] =	ssyncset.done @!p1 $0x0  }
0x183: {  	[sflag:s0] =	ssyncadd.s32 @!p1 $0xFFFFC000  }
0x184: {  	v20 =	vld [tilespmem:$0x19240];
	_ =	sdelay $0x4  }
0x185: {  	v21 =	vshll.u32 v20, $0x3  }
0x186: {  	v20 =	vand.u32 $0x7F, v20;
	v21 =	vand.u32 $0xFFFFFC00, v21  }
0x187: {  	v20 =	vor.u32 v20, v21  }
0x188: {  	v20 =	vadd.s32 v13, v20;
	_ =	sdelay $0x4  }
0x189: {  	[tilespmem:v20+s15+$0x0] =	vst.idx.msk $0xffff, v0  }
0x18a: {  	v20 =	vld [tilespmem:$0x19250];
	_ =	sdelay $0x4  }
0x18b: {  	v21 =	vshll.u32 v20, $0x3  }
0x18c: {  	v20 =	vand.u32 $0x7F, v20;
	v21 =	vand.u32 $0xFFFFFC00, v21  }
0x18d: {  	v20 =	vor.u32 v20, v21  }
0x18e: {  	v20 =	vadd.s32 v14, v20;
	_ =	sdelay $0x4  }
0x18f: {  	[tilespmem:v20+s15+$0x0] =	vst.idx.msk $0xffff, v0  }
0x190: {  	v20 =	vld [tilespmem:$0x19260];
	_ =	sdelay $0x4  }
0x191: {  	v21 =	vshll.u32 v20, $0x3  }
0x192: {  	v20 =	vand.u32 $0x7F, v20;
	v21 =	vand.u32 $0xFFFFFC00, v21  }
0x193: {  	v20 =	vor.u32 v20, v21  }
0x194: {  	v20 =	vadd.s32 v15, v20;
	_ =	sdelay $0x4  }
0x195: {  	[tilespmem:v20+s15+$0x0] =	vst.idx.msk $0xffff, v0  }
0x196: {  	v20 =	vld [tilespmem:$0x19270];
	_ =	sdelay $0x4  }
0x197: {  	v21 =	vshll.u32 v20, $0x3  }
0x198: {  	v20 =	vand.u32 $0x7F, v20;
	v21 =	vand.u32 $0xFFFFFC00, v21  }
0x199: {  	v20 =	vor.u32 v20, v21  }
0x19a: {  	v20 =	vadd.s32 v16, v20;
	_ =	sdelay $0x2  }
0x19b: {  	s0 =	sadd.s32 $0x0, s24  }
0x19c: {  	p1 =	slt.s32 s0, $0x90  }
0x19d: {  	v21 =	vmov s0;
	s0 =	simm.s32 @!p1 $0x90;
	[tilespmem:v20+s15+$0x0] =	vst.idx.msk $0xffff, v0  }
0x19e: {  	v20 =	vld [tilespmem:s0+$0x19000];
	_ =	sdelay $0x2  }
0x19f: {  	s17 =	simm.s32 $0x0  }
0x1a0: {  	v22 =	vmov s17;
	vm3 =	vlt.u32 v21, v17  }
0x1a1: {  	v21 =	vshll.u32 v22, $0x8;
	v20 =	vnsel vm3, $0x0, v20  }
0x1a2: {  	v21 =	vor.u32 v18, v21;
	v22 =	vshll.u32 v20, $0x3  }
0x1a3: {  	v21 =	vand.u32 $0x3800, v21;
	v22 =	vand.u32 $0xFFFFFC00, v22  }
0x1a4: {  	v23 =	vand.u32 $0x7F, v20;
	v21 =	vadd.s32 v21, v22  }
0x1a5: {  	v21 =	vor.u32 v23, v21  }
0x1a6: {  	v21 =	vor.u32 v19, v21;
	_ =	sdelay $0x3  }
0x1a7: {  	s29 =	sor.u32 $0x40, s29;
	s30 =	simm.s32 $0x19240;
	s2 =	sadd.s32 $0x10, s24  }
0x1a8: {  	s31 =	simm.s32 $0x10;
	p3 =	slt.s32 s2, $0x90;
	s0 =	simm.s32 $0x20;
	[tilespmem:v21+s15+$0x0] =	vst.idx.msk $0xffff, v4  }
.LBB2_12:
0x1a9: {  	s17 =	smov.u32 s2  }
0x1aa: {  	p1 =	sne.s32 s0, $0x30;
	[tilespmem:s30+$0x0] =	vst v20;
	s17 =	simm.s32 @!p3 $0x90  }
0x1ab: {  	v20 =	vld [tilespmem:s17+$0x19000];
	_ =	sdelay $0x2  }
0x1ac: {  	v21 =	vmov s2  }
0x1ad: {  	v22 =	vmov s31;
	s31 =	smov.u32 s0;
	vm3 =	vlt.u32 v21, v17  }
0x1ae: {  	v21 =	vshll.u32 v22, $0x8;
	v20 =	vnsel vm3, $0x0, v20  }
0x1af: {  	v21 =	vor.u32 v18, v21;
	v22 =	vshll.u32 v20, $0x3  }
0x1b0: {  	v21 =	vand.u32 $0x3800, v21;
	v22 =	vand.u32 $0xFFFFFC00, v22  }
0x1b1: {  	v23 =	vand.u32 $0x7F, v20;
	v21 =	vadd.s32 v21, v22  }
0x1b2: {  	v21 =	vor.u32 v23, v21  }
0x1b3: {  	v21 =	vor.u32 v19, v21  }
.Ltmp7:
0x1b4: {  	(pc) =	sbr.rel @p1 .LBB2_12-.Ltmp7, $3  }
0x1b5: {  	_ =	sdelay $0x1  }
0x1b6: {  	s2 =	sadd.s32 s0, s24  }
0x1b7: {  	s0 =	sadd.s32 $0x10, s0;
	s30 =	sadd.s32 $0x10, s30;
	p3 =	slt.s32 s2, $0x90;
	[tilespmem:v21+s15+$0x0] =	vst.idx.msk $0xffff, v4  }
0x1b8: {  	v21 =	vmov s2;
	s2 =	simm.s32 @!p3 $0x90;
	[tilespmem:s30+$0x0] =	vst v20  }
0x1b9: {  	v20 =	vld [tilespmem:s2+$0x19000];
	_ =	sdelay $0x3  }
0x1ba: {  	v22 =	vmov s31;
	vm3 =	vlt.u32 v21, v17  }
0x1bb: {  	v62 =	vshll.u32 v22, $0x8;
	v20 =	vnsel vm3, $0x0, v20  }
0x1bc: {  	v21 =	vor.u32 v18, v62;
	v63 =	vshll.u32 v20, $0x3  }
0x1bd: {  	v21 =	vand.u32 $0x3800, v21;
	v22 =	vand.u32 $0xFFFFFC00, v63  }
0x1be: {  	v23 =	vand.u32 $0x7F, v20;
	v21 =	vadd.s32 v21, v22  }
0x1bf: {  	v21 =	vor.u32 v23, v21  }
0x1c0: {  	v21 =	vor.u32 v19, v21;
	_ =	sdelay $0x2  }
.Ltmp8:
0x1c1: {  	_ = 	snop;
	(pc) =	sbr.rel @p2 .LBB2_15-.Ltmp8, $4  }
0x1c2: {  	_ = 	snop  }
0x1c3: {  	s0 =	sadd.s32 $0x10, s30;
	s30 =	sshll.u32 s29, $0x5;
	[tilespmem:v21+s15+$0x0] =	vst.idx.msk $0xffff, v4  }
0x1c4: {  	s31 =	sadd.s32 s4, s30;
	[tilespmem:s0+$0x0] =	vst v20  }
0x1c5: {  	[hbm4b:s31+s1] =	stream.linear.scatter [tilespmem:s15], [sflag:$0x4], $0x4000, $0x38;
	[tilespmem:$0x19280] =	vst v63  }
.Ltmp9:
0x1c6: {  	(pc) =	sbr.rel .LBB2_9-.Ltmp9, $4  }
0x1c7: {  	s0 =	sadd.s32 s28, s10  }
0x1c8: {  	s26 =	sadd.s32 $0x1, s26;
	s0 =	sshll.u32 s0, $0x5  }
0x1c9: {  	s25 =	sadd.s32 $0x80, s25;
	s24 =	sadd.s32 $0x80, s24;
	s0 =	sadd.s32 s3, s0  }
0x1ca: {  	[tilespmem:s13], [sflag:$0x2] =	stream.linear.gather [hbm4b:s0+s1], $0x4000, $0x38;
	[tilespmem:$0x19280] =	vst v63  }
.LBB2_16:
0x1cb: {  	_ =	sfence.sel $0x180000  }
0x1cc: {  	[bflag:$0x0] =	sbarrier.arrive $0xFFFF  }
0x1cd: {  	_ =	strace $0x90000047  }
0x1ce: {  	s0 =	stileid.u32;
	[bflag:$0x2] =	sbarrier.arrive $0xFFFF  }
0x1cf: {  	p0 =	sne.s32 s0, $0x0;
	s0 =	rddreg [dreg:$0x1]  }
0x1d0: {  	s0 =	sadd.s32 @!p0 $0x100000, s0  }
0x1d1: {  	[sflag:s0] =	ssyncadd.tile.s32 @!p0 $0x1;
	_ =	shalt  }
.Lfunc_end2:
_tile_overlayer_lowered:
.L_overlay_start_2:
0x1d2: {  	(tag) =	ssettag $0x2  }
0x1d3: {  	s0 =	rddreg [dreg:$0x0];
	s2 =	stileid.u32  }
0x1d4: {  	s1 =	rddreg [dreg:$0x1];
	p0 =	sne.s32 s2, $0x0  }
0x1d5: {  	s3 =	rddreg [dreg:$0x2];
	[bflag:$0x3] =	sbarrier.arrive $0xFFFF;
	s2 =	simm.s32 @!p0 $0x1C06  }
0x1d6: {  	[timem:s3], [sflag:s2] =	dma.local @!p0 [hbm:s0], s1  }
0x1d7: {  	s0 =	simm.s32 @!p0 $0x6  }
0x1d8: {  	_ =	swait.ge @!p0 [sflag:s0], s1  }
0x1d9: {  	s1 =	ssub.s32 @!p0 $0x0, s1;
	[sflag:s0] =	ssyncset.done @!p0 $0x0  }
0x1da: {  	[sflag:s0] =	ssyncadd.s32 @!p0 s1  }
0x1db: {  	[bflag:$0x3] =	sbarrier.arrive $0xFFFF  }
0x1dc: {  	_ =	shalt  }

</sc_bundles>
